<compile_context>
chip_gen: v7x
topology: tpu7x:2x2x1
jax: 0.10.2.dev20260603
libtpu: 0.0.44.dev20260713+nightly
codegen_flags: <defaults>
</compile_context>

<pallas_src>
import dataclasses
import functools

import jax
import jax.numpy as jnp
from jax import lax
from jax.experimental import pallas as pl
from jax.experimental.pallas import tpu as pltpu
from jax.experimental.pallas import tpu_sc as plsc

_R = 32
_V = _R ** 3
_B, _C, _N = 8, 64, 65536
_NC, _NS = 2, 16
_CH = _C // _NC
_PTS = _N // _NS
_CHUNK = 512
_NCHUNK = _PTS // _CHUNK
_IDXROWS = _PTS // 128
_ROWS_PER_TEC = _V // _NS
_ZROWS = 256
_HR = _V // 128


def _norm_body(coords_ref, nc_ref, idx_ref):
    c = coords_ref[0]
    m = jnp.mean(c, axis=1, keepdims=True)
    cc = c - m
    nrm = jnp.sqrt(jnp.sum(cc * cc, axis=0, keepdims=True))
    denom = jnp.max(nrm) * 2.0
    ncd = cc / denom + 0.5
    ncd = jnp.clip(ncd * _R, 0.0, _R - 1.0)
    nc_ref[0] = ncd
    vox = jnp.round(ncd).astype(jnp.int32)
    idx_ref[0] = vox[0:1] * (_R * _R) + vox[1:2] * _R + vox[2:3]


def _norm_pallas(coords):
    return pl.pallas_call(
        _norm_body,
        grid=(_B,),
        in_specs=[pl.BlockSpec((1, 3, _N), lambda b: (b, 0, 0))],
        out_specs=[pl.BlockSpec((1, 3, _N), lambda b: (b, 0, 0)),
                   pl.BlockSpec((1, 1, _N), lambda b: (b, 0, 0))],
        out_shape=[jax.ShapeDtypeStruct((_B, 3, _N), jnp.float32),
                   jax.ShapeDtypeStruct((_B, 1, _N), jnp.int32)],
    )(coords)


_TB = 8192


def _trans_body(f_ref, o_ref):
    o_ref[0, 0] = f_ref[0].T


def _trans_pallas(features):
    return pl.pallas_call(
        _trans_body,
        grid=(_NC, _B, _N // _TB),
        in_specs=[pl.BlockSpec((1, _CH, _TB), lambda c, b, k: (b, c, k))],
        out_specs=[pl.BlockSpec((1, 1, _TB, _CH), lambda c, b, k: (c, b, k, 0))],
        out_shape=[jax.ShapeDtypeStruct((_NC, _B, _N, _CH), jnp.float32)],
    )(features)[0]


def _sc_body(trans_hbm, idx_hbm, sums_hbm, hist_hbm,
             table, fbuf, ibuf, hist, zbuf, sem):
    cid = lax.axis_index("c")
    sid = lax.axis_index("s")
    zero16 = jnp.zeros((16,), jnp.float32)

    @pl.loop(0, _ZROWS)
    def _(r):
        zbuf[r, pl.ds(0, 16)] = zero16
        zbuf[r, pl.ds(16, 16)] = zero16

    @pl.loop(0, _B)
    def _(b):
        row0 = sid * _ROWS_PER_TEC
        for k in range(_ROWS_PER_TEC // _ZROWS):
            pltpu.sync_copy(zbuf, table.at[pl.ds(row0 + k * _ZROWS, _ZROWS)])

        my_hist = lax.rem(b, _NC) == cid

        @pl.when(my_hist)
        def _():
            @pl.loop(0, _HR)
            def _(r):
                for s in range(8):
                    hist[r, pl.ds(s * 16, 16)] = zero16

        pltpu.sync_copy(idx_hbm.at[b, sid], ibuf)
        plsc.subcore_barrier()

        pbase = sid * _PTS

        @pl.loop(0, _NCHUNK)
        def _(ck):
            pltpu.sync_copy(
                trans_hbm.at[cid, b, pl.ds(pbase + ck * _CHUNK, _CHUNK)], fbuf)
            for j in range(_CHUNK // 128):
                pltpu.sync_copy(fbuf.at[pl.ds(j * 128, 128)],
                                table.at[ibuf.at[ck * (_CHUNK // 128) + j]],
                                add=True)

        @pl.when(my_hist)
        def _():
            one16 = jnp.full((16,), 1.0, jnp.float32)

            @pl.loop(0, _IDXROWS)
            def _(r):
                for s in range(8):
                    v = ibuf[r, pl.ds(s * 16, 16)]
                    plsc.addupdate_scatter(
                        hist,
                        [lax.shift_right_logical(v, 7),
                         lax.bitwise_and(v, 127)],
                        one16)

        plsc.subcore_barrier()

        for k in range(_ROWS_PER_TEC // _ZROWS):
            pltpu.sync_copy(table.at[pl.ds(row0 + k * _ZROWS, _ZROWS)],
                            sums_hbm.at[cid, b, pl.ds(row0 + k * _ZROWS, _ZROWS)])

        @pl.when(my_hist)
        def _():
            pltpu.sync_copy(hist, hist_hbm.at[b, sid])


def _sc_compiler_params():
    cp = pltpu.CompilerParams(use_tc_tiling_on_sc=False)
    if "needs_layout_passes" in pltpu.CompilerParams.__dataclass_fields__:
        cp = dataclasses.replace(cp, needs_layout_passes=False)
    return cp


def _sc_scatter(trans, idx4):
    mesh = plsc.VectorSubcoreMesh(core_axis_name="c", subcore_axis_name="s")
    return pl.kernel(
        _sc_body,
        compiler_params=_sc_compiler_params(),
        out_type=(jax.ShapeDtypeStruct((_NC, _B, _V, _CH), jnp.float32),
                  jax.ShapeDtypeStruct((_B, _NS, _HR, 128), jnp.float32)),
        mesh=mesh,
        scratch_types=[
            pltpu.VMEM_SHARED((_V, _CH), jnp.float32),
            pltpu.VMEM((_CHUNK, _CH), jnp.float32),
            pltpu.VMEM((_IDXROWS, 128), jnp.int32),
            pltpu.VMEM((_HR, 128), jnp.float32),
            pltpu.VMEM((_ZROWS, _CH), jnp.float32),
            pltpu.SemaphoreType.DMA,
        ],
    )(trans, idx4)


_VB = 8192


def _final_body(s_ref, h_ref, o_ref):
    cnt = jnp.sum(h_ref[0], axis=0)
    cnt = jnp.maximum(cnt, 1.0)
    o_ref[0] = s_ref[0, 0].T / cnt[None, :]


def _final_pallas(sums, hists_blk):
    return pl.pallas_call(
        _final_body,
        grid=(_B, _NC, _V // _VB),
        in_specs=[
            pl.BlockSpec((1, 1, _VB, _CH), lambda b, c, k: (c, b, k, 0)),
            pl.BlockSpec((1, _NS, _VB), lambda b, c, k: (b, 0, k)),
        ],
        out_specs=[pl.BlockSpec((1, _CH, _VB), lambda b, c, k: (b, c, k))],
        out_shape=[jax.ShapeDtypeStruct((_B, _C, _V), jnp.float32)],
    )(sums, hists_blk)[0]


def kernel(features, coords):
    norm_coords, idx = _norm_pallas(coords)
    norm_coords = norm_coords.reshape(_B, 3, _N)
    idx4 = idx.reshape(_B, _NS, _IDXROWS, 128)
    trans = _trans_pallas(features)
    sums, hists = _sc_scatter(trans, idx4)
    hists_r = hists.reshape(_B, _NS, _V)
    out = _final_pallas(sums, hists_r)
    return out.reshape(_B, _C, _R, _R, _R), norm_coords

# --- scband reference (transcript-rebuilt; emitter-appended) ---
"""Pipeline reference for scband-voxelization-85358180040888 (READ-ONLY COPY).

The authoritative reference and input builder live on the scoring server;
editing this copy changes nothing except your own understanding.
"""

import jax, jax.numpy as jnp
import numpy as np

R = 32
EPS = 0.0
NORMALIZE = True


def avg_voxelize(features, vox_coords, r):
    # features: [B, C, N], vox_coords: int32 [B, 3, N]
    B, C, N = features.shape
    idx = (vox_coords[:, 0].astype(jnp.int32) * r * r
           + vox_coords[:, 1].astype(jnp.int32) * r
           + vox_coords[:, 2].astype(jnp.int32))  # [B, N]
    batch_offsets = (jnp.arange(B, dtype=jnp.int32) * (r ** 3))[:, None]
    flat_idx = (idx + batch_offsets).reshape(-1)  # [B*N]
    feats = jnp.transpose(features, (0, 2, 1)).reshape(B * N, C)
    num_segments = B * r ** 3
    sums = jax.ops.segment_sum(feats, flat_idx, num_segments=num_segments)
    cnts = jax.ops.segment_sum(jnp.ones((B * N,), dtype=features.dtype), flat_idx, num_segments=num_segments)
    avg = sums / jnp.maximum(cnts, 1.0)[:, None]
    out = jnp.transpose(avg.reshape(B, r ** 3, C), (0, 2, 1)).reshape(B, C, r, r, r)
    return out


def setup_inputs(seed: int = 0) -> dict:
    key = jax.random.key(seed)
    k1, k2 = jax.random.split(key)
    features = jax.random.normal(k1, (8, 64, 65536), dtype=jnp.float32)
    coords = jax.random.normal(k2, (8, 3, 65536), dtype=jnp.float32)
    return {"features": features, "coords": coords}


def reference(features, coords):
    coords = jax.lax.stop_gradient(coords)
    norm_coords = coords - jnp.mean(coords, axis=2, keepdims=True)
    if NORMALIZE:
        nrm = jnp.linalg.norm(norm_coords, axis=1, keepdims=True)  # [B,1,N]
        denom = jnp.max(nrm, axis=2, keepdims=True) * 2.0 + EPS     # [B,1,1]
        norm_coords = norm_coords / denom + 0.5
    else:
        norm_coords = (norm_coords + 1) / 2.0
    norm_coords = jnp.clip(norm_coords * R, 0, R - 1)
    vox_coords = jnp.round(norm_coords).astype(jnp.int32)
    return avg_voxelize(features, vox_coords, R), norm_coords

if __name__ == "__main__":
    import jax
    _d = setup_inputs()
    print(jax.jit(kernel)(*tuple(_d.values())))

</pallas_src>

<mosaic_0001>
#map = affine_map<(d0, d1) -> (0, 0, 0, 0)>
module attributes {stable_mosaic.version = 14 : i64} {
  func.func @_sc_body(%arg0: i32, %arg1: i32, %arg2: memref<2x8x65536x32xf32, #tpu.memory_space<hbm>>, %arg3: memref<8x16x32x128xi32, #tpu.memory_space<hbm>>, %arg4: memref<2x8x32768x32xf32, #tpu.memory_space<hbm>>, %arg5: memref<8x16x256x128xf32, #tpu.memory_space<hbm>>, %arg6: memref<32768x32xf32, #tpu.memory_space<vmem_shared>>, %arg7: memref<512x32xf32, #tpu.memory_space<vmem>>, %arg8: memref<32x128xi32, #tpu.memory_space<vmem>>, %arg9: memref<256x128xf32, #tpu.memory_space<vmem>>, %arg10: memref<256x32xf32, #tpu.memory_space<vmem>>, %arg11: memref<!tpu.dma_semaphore, #tpu.memory_space<semaphore_mem>>) attributes {dimension_semantics = [#tpu.dimension_semantics<core_parallel>, #tpu.dimension_semantics<subcore_parallel>], iteration_bounds = array<i64: 2, 16>, scalar_prefetch = 0 : i64, scratch_operands = 6 : i64, tpu.core_type = #tpu.core_type<sc_vector_subcore>, window_params = [{transform_indices = #map}, {transform_indices = #map}, {transform_indices = #map}, {transform_indices = #map}]} {
    %broadcast_in_dim3A = arith.constant 0.000000e+00 : f32
    %broadcast_in_dim3A_0 = vector.broadcast %broadcast_in_dim3A : f32 to vector<16xf32>
    %scan3A = arith.constant 0 : i32
    %scan3A_1 = arith.constant 256 : i32
    %scan3A_2 = arith.addi %scan3A, %scan3A_1 : i32
    %scan3A_3 = arith.constant 1 : i32
    scf.for %scan3A_10 = %scan3A to %scan3A_2 step %scan3A_3  : i32 {
      %mul3A = arith.constant 1 : i32
      %mul3A_11 = arith.muli %scan3A_10, %mul3A : i32
      %add3A = arith.constant 0 : i32
      %add3A_12 = arith.addi %add3A, %mul3A_11 : i32
      %swap3A = arith.index_cast %add3A_12 : i32 to index
      %swap3A_13 = arith.constant 0 : index
      %swap3A_14 = tpu.vector_load %arg10[%swap3A, %swap3A_13] {strides = array<i32>} : memref<256x32xf32, #tpu.memory_space<vmem>>, vector<16xf32>,
      tpu.vector_store %arg10[%swap3A, %swap3A_13], %broadcast_in_dim3A_0 {strides = array<i32>} : memref<256x32xf32, #tpu.memory_space<vmem>>, vector<16xf32>,
      %swap3A_15 = arith.index_cast %add3A_12 : i32 to index
      %swap3A_16 = arith.constant 16 : index
      %swap3A_17 = tpu.vector_load %arg10[%swap3A_15, %swap3A_16] {strides = array<i32>} : memref<256x32xf32, #tpu.memory_space<vmem>>, vector<16xf32>,
      tpu.vector_store %arg10[%swap3A_15, %swap3A_16], %broadcast_in_dim3A_0 {strides = array<i32>} : memref<256x32xf32, #tpu.memory_space<vmem>>, vector<16xf32>,
    }
    %scan3A_4 = arith.constant 256 : i32
    %scan3A_5 = arith.constant 0 : i32
    %scan3A_6 = arith.constant 8 : i32
    %scan3A_7 = arith.addi %scan3A_5, %scan3A_6 : i32
    %scan3A_8 = arith.constant 1 : i32
    scf.for %scan3A_10 = %scan3A_5 to %scan3A_7 step %scan3A_8  : i32 {
      %mul3A = arith.constant 1 : i32
      %mul3A_11 = arith.muli %scan3A_10, %mul3A : i32
      %add3A = arith.constant 0 : i32
      %add3A_12 = arith.addi %add3A, %mul3A_11 : i32
      %mul3A_13 = arith.constant 2048 : i32
      %mul3A_14 = arith.muli %arg1, %mul3A_13 : i32
      %add3A_15 = arith.constant 0 : i32
      %add3A_16 = arith.addi %mul3A_14, %add3A_15 : i32
      "tpu.region"() ({
        %run_scoped3A = tpu.sem_alloc : memref<!tpu.dma_semaphore, #tpu.memory_space<semaphore_mem>>
        %dma_start3A = arith.constant 0 : i32
        %dma_start3A_79 = tpu.memref_slice %arg6[%add3A_16, %dma_start3A] : memref<32768x32xf32, #tpu.memory_space<vmem_shared>> -> memref<256x32xf32, #tpu.memory_space<vmem_shared>>
        %dma_start3A_80 = arith.constant 0 : i32
        %dma_start3A_81 = tpu.memref_slice %arg6[%add3A_16, %dma_start3A_80] : memref<32768x32xf32, #tpu.memory_space<vmem_shared>> -> memref<256x32xf32, #tpu.memory_space<vmem_shared>>
        tpu.enqueue_dma source(%arg10 : memref<256x32xf32, #tpu.memory_space<vmem>>) target(%dma_start3A_81 : memref<256x32xf32, #tpu.memory_space<vmem_shared>>) target_semaphore(%run_scoped3A : memref<!tpu.dma_semaphore, #tpu.memory_space<semaphore_mem>>)
        %dma_wait3A = arith.constant 0 : i32
        %dma_wait3A_82 = tpu.memref_slice %arg6[%add3A_16, %dma_wait3A] : memref<32768x32xf32, #tpu.memory_space<vmem_shared>> -> memref<256x32xf32, #tpu.memory_space<vmem_shared>>
        %dma_wait3A_83 = arith.constant 0 : i32
        %dma_wait3A_84 = tpu.memref_slice %arg6[%add3A_16, %dma_wait3A_83] : memref<32768x32xf32, #tpu.memory_space<vmem_shared>> -> memref<256x32xf32, #tpu.memory_space<vmem_shared>>
        tpu.wait_dma2 semaphore(%run_scoped3A : memref<!tpu.dma_semaphore, #tpu.memory_space<semaphore_mem>>) src(%arg10 : memref<256x32xf32, #tpu.memory_space<vmem>>) dst(%dma_wait3A_84 : memref<256x32xf32, #tpu.memory_space<vmem_shared>>)
        tpu.yield
      }) : () -> ()
      %add3A_17 = arith.constant 256 : i32
      %add3A_18 = arith.addi %mul3A_14, %add3A_17 : i32
      "tpu.region"() ({
        %run_scoped3A = tpu.sem_alloc : memref<!tpu.dma_semaphore, #tpu.memory_space<semaphore_mem>>
        %dma_start3A = arith.constant 0 : i32
        %dma_start3A_79 = tpu.memref_slice %arg6[%add3A_18, %dma_start3A] : memref<32768x32xf32, #tpu.memory_space<vmem_shared>> -> memref<256x32xf32, #tpu.memory_space<vmem_shared>>
        %dma_start3A_80 = arith.constant 0 : i32
        %dma_start3A_81 = tpu.memref_slice %arg6[%add3A_18, %dma_start3A_80] : memref<32768x32xf32, #tpu.memory_space<vmem_shared>> -> memref<256x32xf32, #tpu.memory_space<vmem_shared>>
        tpu.enqueue_dma source(%arg10 : memref<256x32xf32, #tpu.memory_space<vmem>>) target(%dma_start3A_81 : memref<256x32xf32, #tpu.memory_space<vmem_shared>>) target_semaphore(%run_scoped3A : memref<!tpu.dma_semaphore, #tpu.memory_space<semaphore_mem>>)
        %dma_wait3A = arith.constant 0 : i32
        %dma_wait3A_82 = tpu.memref_slice %arg6[%add3A_18, %dma_wait3A] : memref<32768x32xf32, #tpu.memory_space<vmem_shared>> -> memref<256x32xf32, #tpu.memory_space<vmem_shared>>
        %dma_wait3A_83 = arith.constant 0 : i32
        %dma_wait3A_84 = tpu.memref_slice %arg6[%add3A_18, %dma_wait3A_83] : memref<32768x32xf32, #tpu.memory_space<vmem_shared>> -> memref<256x32xf32, #tpu.memory_space<vmem_shared>>
        tpu.wait_dma2 semaphore(%run_scoped3A : memref<!tpu.dma_semaphore, #tpu.memory_space<semaphore_mem>>) src(%arg10 : memref<256x32xf32, #tpu.memory_space<vmem>>) dst(%dma_wait3A_84 : memref<256x32xf32, #tpu.memory_space<vmem_shared>>)
        tpu.yield
      }) : () -> ()
      %add3A_19 = arith.constant 512 : i32
      %add3A_20 = arith.addi %mul3A_14, %add3A_19 : i32
      "tpu.region"() ({
        %run_scoped3A = tpu.sem_alloc : memref<!tpu.dma_semaphore, #tpu.memory_space<semaphore_mem>>
        %dma_start3A = arith.constant 0 : i32
        %dma_start3A_79 = tpu.memref_slice %arg6[%add3A_20, %dma_start3A] : memref<32768x32xf32, #tpu.memory_space<vmem_shared>> -> memref<256x32xf32, #tpu.memory_space<vmem_shared>>
        %dma_start3A_80 = arith.constant 0 : i32
        %dma_start3A_81 = tpu.memref_slice %arg6[%add3A_20, %dma_start3A_80] : memref<32768x32xf32, #tpu.memory_space<vmem_shared>> -> memref<256x32xf32, #tpu.memory_space<vmem_shared>>
        tpu.enqueue_dma source(%arg10 : memref<256x32xf32, #tpu.memory_space<vmem>>) target(%dma_start3A_81 : memref<256x32xf32, #tpu.memory_space<vmem_shared>>) target_semaphore(%run_scoped3A : memref<!tpu.dma_semaphore, #tpu.memory_space<semaphore_mem>>)
        %dma_wait3A = arith.constant 0 : i32
        %dma_wait3A_82 = tpu.memref_slice %arg6[%add3A_20, %dma_wait3A] : memref<32768x32xf32, #tpu.memory_space<vmem_shared>> -> memref<256x32xf32, #tpu.memory_space<vmem_shared>>
        %dma_wait3A_83 = arith.constant 0 : i32
        %dma_wait3A_84 = tpu.memref_slice %arg6[%add3A_20, %dma_wait3A_83] : memref<32768x32xf32, #tpu.memory_space<vmem_shared>> -> memref<256x32xf32, #tpu.memory_space<vmem_shared>>
        tpu.wait_dma2 semaphore(%run_scoped3A : memref<!tpu.dma_semaphore, #tpu.memory_space<semaphore_mem>>) src(%arg10 : memref<256x32xf32, #tpu.memory_space<vmem>>) dst(%dma_wait3A_84 : memref<256x32xf32, #tpu.memory_space<vmem_shared>>)
        tpu.yield
      }) : () -> ()
      %add3A_21 = arith.constant 768 : i32
      %add3A_22 = arith.addi %mul3A_14, %add3A_21 : i32
      "tpu.region"() ({
        %run_scoped3A = tpu.sem_alloc : memref<!tpu.dma_semaphore, #tpu.memory_space<semaphore_mem>>
        %dma_start3A = arith.constant 0 : i32
        %dma_start3A_79 = tpu.memref_slice %arg6[%add3A_22, %dma_start3A] : memref<32768x32xf32, #tpu.memory_space<vmem_shared>> -> memref<256x32xf32, #tpu.memory_space<vmem_shared>>
        %dma_start3A_80 = arith.constant 0 : i32
        %dma_start3A_81 = tpu.memref_slice %arg6[%add3A_22, %dma_start3A_80] : memref<32768x32xf32, #tpu.memory_space<vmem_shared>> -> memref<256x32xf32, #tpu.memory_space<vmem_shared>>
        tpu.enqueue_dma source(%arg10 : memref<256x32xf32, #tpu.memory_space<vmem>>) target(%dma_start3A_81 : memref<256x32xf32, #tpu.memory_space<vmem_shared>>) target_semaphore(%run_scoped3A : memref<!tpu.dma_semaphore, #tpu.memory_space<semaphore_mem>>)
        %dma_wait3A = arith.constant 0 : i32
        %dma_wait3A_82 = tpu.memref_slice %arg6[%add3A_22, %dma_wait3A] : memref<32768x32xf32, #tpu.memory_space<vmem_shared>> -> memref<256x32xf32, #tpu.memory_space<vmem_shared>>
        %dma_wait3A_83 = arith.constant 0 : i32
        %dma_wait3A_84 = tpu.memref_slice %arg6[%add3A_22, %dma_wait3A_83] : memref<32768x32xf32, #tpu.memory_space<vmem_shared>> -> memref<256x32xf32, #tpu.memory_space<vmem_shared>>
        tpu.wait_dma2 semaphore(%run_scoped3A : memref<!tpu.dma_semaphore, #tpu.memory_space<semaphore_mem>>) src(%arg10 : memref<256x32xf32, #tpu.memory_space<vmem>>) dst(%dma_wait3A_84 : memref<256x32xf32, #tpu.memory_space<vmem_shared>>)
        tpu.yield
      }) : () -> ()
      %add3A_23 = arith.constant 1024 : i32
      %add3A_24 = arith.addi %mul3A_14, %add3A_23 : i32
      "tpu.region"() ({
        %run_scoped3A = tpu.sem_alloc : memref<!tpu.dma_semaphore, #tpu.memory_space<semaphore_mem>>
        %dma_start3A = arith.constant 0 : i32
        %dma_start3A_79 = tpu.memref_slice %arg6[%add3A_24, %dma_start3A] : memref<32768x32xf32, #tpu.memory_space<vmem_shared>> -> memref<256x32xf32, #tpu.memory_space<vmem_shared>>
        %dma_start3A_80 = arith.constant 0 : i32
        %dma_start3A_81 = tpu.memref_slice %arg6[%add3A_24, %dma_start3A_80] : memref<32768x32xf32, #tpu.memory_space<vmem_shared>> -> memref<256x32xf32, #tpu.memory_space<vmem_shared>>
        tpu.enqueue_dma source(%arg10 : memref<256x32xf32, #tpu.memory_space<vmem>>) target(%dma_start3A_81 : memref<256x32xf32, #tpu.memory_space<vmem_shared>>) target_semaphore(%run_scoped3A : memref<!tpu.dma_semaphore, #tpu.memory_space<semaphore_mem>>)
        %dma_wait3A = arith.constant 0 : i32
        %dma_wait3A_82 = tpu.memref_slice %arg6[%add3A_24, %dma_wait3A] : memref<32768x32xf32, #tpu.memory_space<vmem_shared>> -> memref<256x32xf32, #tpu.memory_space<vmem_shared>>
        %dma_wait3A_83 = arith.constant 0 : i32
        %dma_wait3A_84 = tpu.memref_slice %arg6[%add3A_24, %dma_wait3A_83] : memref<32768x32xf32, #tpu.memory_space<vmem_shared>> -> memref<256x32xf32, #tpu.memory_space<vmem_shared>>
        tpu.wait_dma2 semaphore(%run_scoped3A : memref<!tpu.dma_semaphore, #tpu.memory_space<semaphore_mem>>) src(%arg10 : memref<256x32xf32, #tpu.memory_space<vmem>>) dst(%dma_wait3A_84 : memref<256x32xf32, #tpu.memory_space<vmem_shared>>)
        tpu.yield
      }) : () -> ()
      %add3A_25 = arith.constant 1280 : i32
      %add3A_26 = arith.addi %mul3A_14, %add3A_25 : i32
      "tpu.region"() ({
        %run_scoped3A = tpu.sem_alloc : memref<!tpu.dma_semaphore, #tpu.memory_space<semaphore_mem>>
        %dma_start3A = arith.constant 0 : i32
        %dma_start3A_79 = tpu.memref_slice %arg6[%add3A_26, %dma_start3A] : memref<32768x32xf32, #tpu.memory_space<vmem_shared>> -> memref<256x32xf32, #tpu.memory_space<vmem_shared>>
        %dma_start3A_80 = arith.constant 0 : i32
        %dma_start3A_81 = tpu.memref_slice %arg6[%add3A_26, %dma_start3A_80] : memref<32768x32xf32, #tpu.memory_space<vmem_shared>> -> memref<256x32xf32, #tpu.memory_space<vmem_shared>>
        tpu.enqueue_dma source(%arg10 : memref<256x32xf32, #tpu.memory_space<vmem>>) target(%dma_start3A_81 : memref<256x32xf32, #tpu.memory_space<vmem_shared>>) target_semaphore(%run_scoped3A : memref<!tpu.dma_semaphore, #tpu.memory_space<semaphore_mem>>)
        %dma_wait3A = arith.constant 0 : i32
        %dma_wait3A_82 = tpu.memref_slice %arg6[%add3A_26, %dma_wait3A] : memref<32768x32xf32, #tpu.memory_space<vmem_shared>> -> memref<256x32xf32, #tpu.memory_space<vmem_shared>>
        %dma_wait3A_83 = arith.constant 0 : i32
        %dma_wait3A_84 = tpu.memref_slice %arg6[%add3A_26, %dma_wait3A_83] : memref<32768x32xf32, #tpu.memory_space<vmem_shared>> -> memref<256x32xf32, #tpu.memory_space<vmem_shared>>
        tpu.wait_dma2 semaphore(%run_scoped3A : memref<!tpu.dma_semaphore, #tpu.memory_space<semaphore_mem>>) src(%arg10 : memref<256x32xf32, #tpu.memory_space<vmem>>) dst(%dma_wait3A_84 : memref<256x32xf32, #tpu.memory_space<vmem_shared>>)
        tpu.yield
      }) : () -> ()
      %add3A_27 = arith.constant 1536 : i32
      %add3A_28 = arith.addi %mul3A_14, %add3A_27 : i32
      "tpu.region"() ({
        %run_scoped3A = tpu.sem_alloc : memref<!tpu.dma_semaphore, #tpu.memory_space<semaphore_mem>>
        %dma_start3A = arith.constant 0 : i32
        %dma_start3A_79 = tpu.memref_slice %arg6[%add3A_28, %dma_start3A] : memref<32768x32xf32, #tpu.memory_space<vmem_shared>> -> memref<256x32xf32, #tpu.memory_space<vmem_shared>>
        %dma_start3A_80 = arith.constant 0 : i32
        %dma_start3A_81 = tpu.memref_slice %arg6[%add3A_28, %dma_start3A_80] : memref<32768x32xf32, #tpu.memory_space<vmem_shared>> -> memref<256x32xf32, #tpu.memory_space<vmem_shared>>
        tpu.enqueue_dma source(%arg10 : memref<256x32xf32, #tpu.memory_space<vmem>>) target(%dma_start3A_81 : memref<256x32xf32, #tpu.memory_space<vmem_shared>>) target_semaphore(%run_scoped3A : memref<!tpu.dma_semaphore, #tpu.memory_space<semaphore_mem>>)
        %dma_wait3A = arith.constant 0 : i32
        %dma_wait3A_82 = tpu.memref_slice %arg6[%add3A_28, %dma_wait3A] : memref<32768x32xf32, #tpu.memory_space<vmem_shared>> -> memref<256x32xf32, #tpu.memory_space<vmem_shared>>
        %dma_wait3A_83 = arith.constant 0 : i32
        %dma_wait3A_84 = tpu.memref_slice %arg6[%add3A_28, %dma_wait3A_83] : memref<32768x32xf32, #tpu.memory_space<vmem_shared>> -> memref<256x32xf32, #tpu.memory_space<vmem_shared>>
        tpu.wait_dma2 semaphore(%run_scoped3A : memref<!tpu.dma_semaphore, #tpu.memory_space<semaphore_mem>>) src(%arg10 : memref<256x32xf32, #tpu.memory_space<vmem>>) dst(%dma_wait3A_84 : memref<256x32xf32, #tpu.memory_space<vmem_shared>>)
        tpu.yield
      }) : () -> ()
      %add3A_29 = arith.constant 1792 : i32
      %add3A_30 = arith.addi %mul3A_14, %add3A_29 : i32
      "tpu.region"() ({
        %run_scoped3A = tpu.sem_alloc : memref<!tpu.dma_semaphore, #tpu.memory_space<semaphore_mem>>
        %dma_start3A = arith.constant 0 : i32
        %dma_start3A_79 = tpu.memref_slice %arg6[%add3A_30, %dma_start3A] : memref<32768x32xf32, #tpu.memory_space<vmem_shared>> -> memref<256x32xf32, #tpu.memory_space<vmem_shared>>
        %dma_start3A_80 = arith.constant 0 : i32
        %dma_start3A_81 = tpu.memref_slice %arg6[%add3A_30, %dma_start3A_80] : memref<32768x32xf32, #tpu.memory_space<vmem_shared>> -> memref<256x32xf32, #tpu.memory_space<vmem_shared>>
        tpu.enqueue_dma source(%arg10 : memref<256x32xf32, #tpu.memory_space<vmem>>) target(%dma_start3A_81 : memref<256x32xf32, #tpu.memory_space<vmem_shared>>) target_semaphore(%run_scoped3A : memref<!tpu.dma_semaphore, #tpu.memory_space<semaphore_mem>>)
        %dma_wait3A = arith.constant 0 : i32
        %dma_wait3A_82 = tpu.memref_slice %arg6[%add3A_30, %dma_wait3A] : memref<32768x32xf32, #tpu.memory_space<vmem_shared>> -> memref<256x32xf32, #tpu.memory_space<vmem_shared>>
        %dma_wait3A_83 = arith.constant 0 : i32
        %dma_wait3A_84 = tpu.memref_slice %arg6[%add3A_30, %dma_wait3A_83] : memref<32768x32xf32, #tpu.memory_space<vmem_shared>> -> memref<256x32xf32, #tpu.memory_space<vmem_shared>>
        tpu.wait_dma2 semaphore(%run_scoped3A : memref<!tpu.dma_semaphore, #tpu.memory_space<semaphore_mem>>) src(%arg10 : memref<256x32xf32, #tpu.memory_space<vmem>>) dst(%dma_wait3A_84 : memref<256x32xf32, #tpu.memory_space<vmem_shared>>)
        tpu.yield
      }) : () -> ()
      %rem3A = arith.constant 2 : i32
      %rem3A_31 = arith.remsi %add3A_12, %rem3A : i32
      %eq3A = arith.cmpi eq, %rem3A_31, %arg0 : i32
      %convert_element_type3A = arith.extui %eq3A : i1 to i32
      %cond3A = arith.constant 0 : i32
      %cond3A_32 = arith.cmpi ne, %convert_element_type3A, %cond3A : i32
      scf.if %cond3A_32 {
        %scan3A_79 = arith.constant 0 : i32
        %scan3A_80 = arith.constant 256 : i32
        %scan3A_81 = arith.addi %scan3A_79, %scan3A_80 : i32
        %scan3A_82 = arith.constant 1 : i32
        scf.for %scan3A_84 = %scan3A_79 to %scan3A_81 step %scan3A_82  : i32 {
          %mul3A_85 = arith.constant 1 : i32
          %mul3A_86 = arith.muli %scan3A_84, %mul3A_85 : i32
          %add3A_87 = arith.constant 0 : i32
          %add3A_88 = arith.addi %add3A_87, %mul3A_86 : i32
          %swap3A = arith.index_cast %add3A_88 : i32 to index
          %swap3A_89 = arith.constant 0 : index
          %swap3A_90 = tpu.vector_load %arg9[%swap3A, %swap3A_89] {strides = array<i32>} : memref<256x128xf32, #tpu.memory_space<vmem>>, vector<16xf32>,
          tpu.vector_store %arg9[%swap3A, %swap3A_89], %broadcast_in_dim3A_0 {strides = array<i32>} : memref<256x128xf32, #tpu.memory_space<vmem>>, vector<16xf32>,
          %swap3A_91 = arith.index_cast %add3A_88 : i32 to index
          %swap3A_92 = arith.constant 16 : index
          %swap3A_93 = tpu.vector_load %arg9[%swap3A_91, %swap3A_92] {strides = array<i32>} : memref<256x128xf32, #tpu.memory_space<vmem>>, vector<16xf32>,
          tpu.vector_store %arg9[%swap3A_91, %swap3A_92], %broadcast_in_dim3A_0 {strides = array<i32>} : memref<256x128xf32, #tpu.memory_space<vmem>>, vector<16xf32>,
          %swap3A_94 = arith.index_cast %add3A_88 : i32 to index
          %swap3A_95 = arith.constant 32 : index
          %swap3A_96 = tpu.vector_load %arg9[%swap3A_94, %swap3A_95] {strides = array<i32>} : memref<256x128xf32, #tpu.memory_space<vmem>>, vector<16xf32>,
          tpu.vector_store %arg9[%swap3A_94, %swap3A_95], %broadcast_in_dim3A_0 {strides = array<i32>} : memref<256x128xf32, #tpu.memory_space<vmem>>, vector<16xf32>,
          %swap3A_97 = arith.index_cast %add3A_88 : i32 to index
          %swap3A_98 = arith.constant 48 : index
          %swap3A_99 = tpu.vector_load %arg9[%swap3A_97, %swap3A_98] {strides = array<i32>} : memref<256x128xf32, #tpu.memory_space<vmem>>, vector<16xf32>,
          tpu.vector_store %arg9[%swap3A_97, %swap3A_98], %broadcast_in_dim3A_0 {strides = array<i32>} : memref<256x128xf32, #tpu.memory_space<vmem>>, vector<16xf32>,
          %swap3A_100 = arith.index_cast %add3A_88 : i32 to index
          %swap3A_101 = arith.constant 64 : index
          %swap3A_102 = tpu.vector_load %arg9[%swap3A_100, %swap3A_101] {strides = array<i32>} : memref<256x128xf32, #tpu.memory_space<vmem>>, vector<16xf32>,
          tpu.vector_store %arg9[%swap3A_100, %swap3A_101], %broadcast_in_dim3A_0 {strides = array<i32>} : memref<256x128xf32, #tpu.memory_space<vmem>>, vector<16xf32>,
          %swap3A_103 = arith.index_cast %add3A_88 : i32 to index
          %swap3A_104 = arith.constant 80 : index
          %swap3A_105 = tpu.vector_load %arg9[%swap3A_103, %swap3A_104] {strides = array<i32>} : memref<256x128xf32, #tpu.memory_space<vmem>>, vector<16xf32>,
          tpu.vector_store %arg9[%swap3A_103, %swap3A_104], %broadcast_in_dim3A_0 {strides = array<i32>} : memref<256x128xf32, #tpu.memory_space<vmem>>, vector<16xf32>,
          %swap3A_106 = arith.index_cast %add3A_88 : i32 to index
          %swap3A_107 = arith.constant 96 : index
          %swap3A_108 = tpu.vector_load %arg9[%swap3A_106, %swap3A_107] {strides = array<i32>} : memref<256x128xf32, #tpu.memory_space<vmem>>, vector<16xf32>,
          tpu.vector_store %arg9[%swap3A_106, %swap3A_107], %broadcast_in_dim3A_0 {strides = array<i32>} : memref<256x128xf32, #tpu.memory_space<vmem>>, vector<16xf32>,
          %swap3A_109 = arith.index_cast %add3A_88 : i32 to index
          %swap3A_110 = arith.constant 112 : index
          %swap3A_111 = tpu.vector_load %arg9[%swap3A_109, %swap3A_110] {strides = array<i32>} : memref<256x128xf32, #tpu.memory_space<vmem>>, vector<16xf32>,
          tpu.vector_store %arg9[%swap3A_109, %swap3A_110], %broadcast_in_dim3A_0 {strides = array<i32>} : memref<256x128xf32, #tpu.memory_space<vmem>>, vector<16xf32>,
        }
        %scan3A_83 = arith.constant 256 : i32
      } else {
      }
      "tpu.region"() ({
        %run_scoped3A = tpu.sem_alloc : memref<!tpu.dma_semaphore, #tpu.memory_space<semaphore_mem>>
        %dma_start3A = arith.constant 0 : i32
        %dma_start3A_79 = arith.constant 0 : i32
        %dma_start3A_80 = tpu.memref_slice %arg3[%add3A_12, %arg1, %dma_start3A, %dma_start3A_79] : memref<8x16x32x128xi32, #tpu.memory_space<hbm>> -> memref<1x1x32x128xi32, #tpu.memory_space<hbm>>
        %dma_start3A_81 = tpu.memref_squeeze %dma_start3A_80 : memref<1x1x32x128xi32, #tpu.memory_space<hbm>> -> memref<32x128xi32, #tpu.memory_space<hbm>>
        %dma_start3A_82 = arith.constant 0 : i32
        %dma_start3A_83 = arith.constant 0 : i32
        %dma_start3A_84 = tpu.memref_slice %arg3[%add3A_12, %arg1, %dma_start3A_82, %dma_start3A_83] : memref<8x16x32x128xi32, #tpu.memory_space<hbm>> -> memref<1x1x32x128xi32, #tpu.memory_space<hbm>>
        %dma_start3A_85 = tpu.memref_squeeze %dma_start3A_84 : memref<1x1x32x128xi32, #tpu.memory_space<hbm>> -> memref<32x128xi32, #tpu.memory_space<hbm>>
        tpu.enqueue_dma source(%dma_start3A_85 : memref<32x128xi32, #tpu.memory_space<hbm>>) target(%arg8 : memref<32x128xi32, #tpu.memory_space<vmem>>) target_semaphore(%run_scoped3A : memref<!tpu.dma_semaphore, #tpu.memory_space<semaphore_mem>>)
        %dma_wait3A = arith.constant 0 : i32
        %dma_wait3A_86 = arith.constant 0 : i32
        %dma_wait3A_87 = tpu.memref_slice %arg3[%add3A_12, %arg1, %dma_wait3A, %dma_wait3A_86] : memref<8x16x32x128xi32, #tpu.memory_space<hbm>> -> memref<1x1x32x128xi32, #tpu.memory_space<hbm>>
        %dma_wait3A_88 = tpu.memref_squeeze %dma_wait3A_87 : memref<1x1x32x128xi32, #tpu.memory_space<hbm>> -> memref<32x128xi32, #tpu.memory_space<hbm>>
        %dma_wait3A_89 = arith.constant 0 : i32
        %dma_wait3A_90 = arith.constant 0 : i32
        %dma_wait3A_91 = tpu.memref_slice %arg3[%add3A_12, %arg1, %dma_wait3A_89, %dma_wait3A_90] : memref<8x16x32x128xi32, #tpu.memory_space<hbm>> -> memref<1x1x32x128xi32, #tpu.memory_space<hbm>>
        %dma_wait3A_92 = tpu.memref_squeeze %dma_wait3A_91 : memref<1x1x32x128xi32, #tpu.memory_space<hbm>> -> memref<32x128xi32, #tpu.memory_space<hbm>>
        tpu.wait_dma2 semaphore(%run_scoped3A : memref<!tpu.dma_semaphore, #tpu.memory_space<semaphore_mem>>) src(%dma_wait3A_92 : memref<32x128xi32, #tpu.memory_space<hbm>>) dst(%arg8 : memref<32x128xi32, #tpu.memory_space<vmem>>)
        tpu.yield
      }) : () -> ()
      %barrier3A = arith.constant 0 : index
      tpu.barrier barrier_id(%barrier3A)
      %mul3A_33 = arith.constant 4096 : i32
      %mul3A_34 = arith.muli %arg1, %mul3A_33 : i32
      %scan3A_35 = arith.constant 0 : i32
      %scan3A_36 = arith.constant 8 : i32
      %scan3A_37 = arith.addi %scan3A_35, %scan3A_36 : i32
      %scan3A_38 = arith.constant 1 : i32
      scf.for %scan3A_79 = %scan3A_35 to %scan3A_37 step %scan3A_38  : i32 {
        %mul3A_80 = arith.constant 1 : i32
        %mul3A_81 = arith.muli %scan3A_79, %mul3A_80 : i32
        %add3A_82 = arith.constant 0 : i32
        %add3A_83 = arith.addi %add3A_82, %mul3A_81 : i32
        %mul3A_84 = arith.constant 512 : i32
        %mul3A_85 = arith.muli %add3A_83, %mul3A_84 : i32
        %add3A_86 = arith.addi %mul3A_34, %mul3A_85 : i32
        "tpu.region"() ({
          %run_scoped3A = tpu.sem_alloc : memref<!tpu.dma_semaphore, #tpu.memory_space<semaphore_mem>>
          %dma_start3A = arith.constant 0 : i32
          %dma_start3A_103 = tpu.memref_slice %arg2[%arg0, %add3A_12, %add3A_86, %dma_start3A] : memref<2x8x65536x32xf32, #tpu.memory_space<hbm>> -> memref<1x1x512x32xf32, #tpu.memory_space<hbm>>
          %dma_start3A_104 = tpu.memref_squeeze %dma_start3A_103 : memref<1x1x512x32xf32, #tpu.memory_space<hbm>> -> memref<512x32xf32, #tpu.memory_space<hbm>>
          %dma_start3A_105 = arith.constant 0 : i32
          %dma_start3A_106 = tpu.memref_slice %arg2[%arg0, %add3A_12, %add3A_86, %dma_start3A_105] : memref<2x8x65536x32xf32, #tpu.memory_space<hbm>> -> memref<1x1x512x32xf32, #tpu.memory_space<hbm>>
          %dma_start3A_107 = tpu.memref_squeeze %dma_start3A_106 : memref<1x1x512x32xf32, #tpu.memory_space<hbm>> -> memref<512x32xf32, #tpu.memory_space<hbm>>
          tpu.enqueue_dma source(%dma_start3A_107 : memref<512x32xf32, #tpu.memory_space<hbm>>) target(%arg7 : memref<512x32xf32, #tpu.memory_space<vmem>>) target_semaphore(%run_scoped3A : memref<!tpu.dma_semaphore, #tpu.memory_space<semaphore_mem>>)
          %dma_wait3A = arith.constant 0 : i32
          %dma_wait3A_108 = tpu.memref_slice %arg2[%arg0, %add3A_12, %add3A_86, %dma_wait3A] : memref<2x8x65536x32xf32, #tpu.memory_space<hbm>> -> memref<1x1x512x32xf32, #tpu.memory_space<hbm>>
          %dma_wait3A_109 = tpu.memref_squeeze %dma_wait3A_108 : memref<1x1x512x32xf32, #tpu.memory_space<hbm>> -> memref<512x32xf32, #tpu.memory_space<hbm>>
          %dma_wait3A_110 = arith.constant 0 : i32
          %dma_wait3A_111 = tpu.memref_slice %arg2[%arg0, %add3A_12, %add3A_86, %dma_wait3A_110] : memref<2x8x65536x32xf32, #tpu.memory_space<hbm>> -> memref<1x1x512x32xf32, #tpu.memory_space<hbm>>
          %dma_wait3A_112 = tpu.memref_squeeze %dma_wait3A_111 : memref<1x1x512x32xf32, #tpu.memory_space<hbm>> -> memref<512x32xf32, #tpu.memory_space<hbm>>
          tpu.wait_dma2 semaphore(%run_scoped3A : memref<!tpu.dma_semaphore, #tpu.memory_space<semaphore_mem>>) src(%dma_wait3A_112 : memref<512x32xf32, #tpu.memory_space<hbm>>) dst(%arg7 : memref<512x32xf32, #tpu.memory_space<vmem>>)
          tpu.yield
        }) : () -> ()
        %mul3A_87 = arith.constant 4 : i32
        %mul3A_88 = arith.muli %add3A_83, %mul3A_87 : i32
        %add3A_89 = arith.constant 0 : i32
        %add3A_90 = arith.addi %mul3A_88, %add3A_89 : i32
        "tpu.region"() ({
          %run_scoped3A = tpu.sem_alloc : memref<!tpu.dma_semaphore, #tpu.memory_space<semaphore_mem>>
          %dma_start3A = arith.constant 0 : i32
          %dma_start3A_103 = arith.constant 0 : i32
          %dma_start3A_104 = tpu.memref_slice %arg7[%dma_start3A, %dma_start3A_103] : memref<512x32xf32, #tpu.memory_space<vmem>> -> memref<128x32xf32, #tpu.memory_space<vmem>>
          %dma_start3A_105 = arith.constant 0 : i32
          %dma_start3A_106 = tpu.memref_slice %arg8[%add3A_90, %dma_start3A_105] : memref<32x128xi32, #tpu.memory_space<vmem>> -> memref<1x128xi32, #tpu.memory_space<vmem>>
          %dma_start3A_107 = tpu.memref_squeeze %dma_start3A_106 : memref<1x128xi32, #tpu.memory_space<vmem>> -> memref<128xi32, #tpu.memory_space<vmem>>
          %dma_start3A_108 = arith.constant 0 : i32
          %dma_start3A_109 = arith.constant 0 : i32
          %dma_start3A_110 = tpu.memref_slice %arg6[%dma_start3A_108, %dma_start3A_109] : memref<32768x32xf32, #tpu.memory_space<vmem_shared>> -> memref<32768x32xf32, #tpu.memory_space<vmem_shared>>
          tpu.enqueue_indirect_dma source(%dma_start3A_104 : memref<128x32xf32, #tpu.memory_space<vmem>>) target(%dma_start3A_110 : memref<32768x32xf32, #tpu.memory_space<vmem_shared>>) offsets(%dma_start3A_107 : memref<128xi32, #tpu.memory_space<vmem>>) semaphore(%run_scoped3A : memref<!tpu.dma_semaphore, #tpu.memory_space<semaphore_mem>>) {add = true}
          %dma_wait3A = arith.constant 0 : i32
          %dma_wait3A_111 = arith.constant 0 : i32
          %dma_wait3A_112 = tpu.memref_slice %arg7[%dma_wait3A, %dma_wait3A_111] : memref<512x32xf32, #tpu.memory_space<vmem>> -> memref<128x32xf32, #tpu.memory_space<vmem>>
          %dma_wait3A_113 = arith.constant 0 : i32
          %dma_wait3A_114 = tpu.memref_slice %arg8[%add3A_90, %dma_wait3A_113] : memref<32x128xi32, #tpu.memory_space<vmem>> -> memref<1x128xi32, #tpu.memory_space<vmem>>
          %dma_wait3A_115 = tpu.memref_squeeze %dma_wait3A_114 : memref<1x128xi32, #tpu.memory_space<vmem>> -> memref<128xi32, #tpu.memory_space<vmem>>
          %dma_wait3A_116 = arith.constant 0 : i32
          %dma_wait3A_117 = arith.constant 0 : i32
          %dma_wait3A_118 = tpu.memref_slice %arg6[%dma_wait3A_116, %dma_wait3A_117] : memref<32768x32xf32, #tpu.memory_space<vmem_shared>> -> memref<32768x32xf32, #tpu.memory_space<vmem_shared>>
          tpu.wait_indirect_dma semaphore(%run_scoped3A : memref<!tpu.dma_semaphore, #tpu.memory_space<semaphore_mem>>) src(%dma_wait3A_112 : memref<128x32xf32, #tpu.memory_space<vmem>>) dst(%dma_wait3A_118 : memref<32768x32xf32, #tpu.memory_space<vmem_shared>>)
          tpu.yield
        }) : () -> ()
        %mul3A_91 = arith.constant 4 : i32
        %mul3A_92 = arith.muli %add3A_83, %mul3A_91 : i32
        %add3A_93 = arith.constant 1 : i32
        %add3A_94 = arith.addi %mul3A_92, %add3A_93 : i32
        "tpu.region"() ({
          %run_scoped3A = tpu.sem_alloc : memref<!tpu.dma_semaphore, #tpu.memory_space<semaphore_mem>>
          %dma_start3A = arith.constant 128 : i32
          %dma_start3A_103 = arith.constant 0 : i32
          %dma_start3A_104 = tpu.memref_slice %arg7[%dma_start3A, %dma_start3A_103] : memref<512x32xf32, #tpu.memory_space<vmem>> -> memref<128x32xf32, #tpu.memory_space<vmem>>
          %dma_start3A_105 = arith.constant 0 : i32
          %dma_start3A_106 = tpu.memref_slice %arg8[%add3A_94, %dma_start3A_105] : memref<32x128xi32, #tpu.memory_space<vmem>> -> memref<1x128xi32, #tpu.memory_space<vmem>>
          %dma_start3A_107 = tpu.memref_squeeze %dma_start3A_106 : memref<1x128xi32, #tpu.memory_space<vmem>> -> memref<128xi32, #tpu.memory_space<vmem>>
          %dma_start3A_108 = arith.constant 0 : i32
          %dma_start3A_109 = arith.constant 0 : i32
          %dma_start3A_110 = tpu.memref_slice %arg6[%dma_start3A_108, %dma_start3A_109] : memref<32768x32xf32, #tpu.memory_space<vmem_shared>> -> memref<32768x32xf32, #tpu.memory_space<vmem_shared>>
          tpu.enqueue_indirect_dma source(%dma_start3A_104 : memref<128x32xf32, #tpu.memory_space<vmem>>) target(%dma_start3A_110 : memref<32768x32xf32, #tpu.memory_space<vmem_shared>>) offsets(%dma_start3A_107 : memref<128xi32, #tpu.memory_space<vmem>>) semaphore(%run_scoped3A : memref<!tpu.dma_semaphore, #tpu.memory_space<semaphore_mem>>) {add = true}
          %dma_wait3A = arith.constant 128 : i32
          %dma_wait3A_111 = arith.constant 0 : i32
          %dma_wait3A_112 = tpu.memref_slice %arg7[%dma_wait3A, %dma_wait3A_111] : memref<512x32xf32, #tpu.memory_space<vmem>> -> memref<128x32xf32, #tpu.memory_space<vmem>>
          %dma_wait3A_113 = arith.constant 0 : i32
          %dma_wait3A_114 = tpu.memref_slice %arg8[%add3A_94, %dma_wait3A_113] : memref<32x128xi32, #tpu.memory_space<vmem>> -> memref<1x128xi32, #tpu.memory_space<vmem>>
          %dma_wait3A_115 = tpu.memref_squeeze %dma_wait3A_114 : memref<1x128xi32, #tpu.memory_space<vmem>> -> memref<128xi32, #tpu.memory_space<vmem>>
          %dma_wait3A_116 = arith.constant 0 : i32
          %dma_wait3A_117 = arith.constant 0 : i32
          %dma_wait3A_118 = tpu.memref_slice %arg6[%dma_wait3A_116, %dma_wait3A_117] : memref<32768x32xf32, #tpu.memory_space<vmem_shared>> -> memref<32768x32xf32, #tpu.memory_space<vmem_shared>>
          tpu.wait_indirect_dma semaphore(%run_scoped3A : memref<!tpu.dma_semaphore, #tpu.memory_space<semaphore_mem>>) src(%dma_wait3A_112 : memref<128x32xf32, #tpu.memory_space<vmem>>) dst(%dma_wait3A_118 : memref<32768x32xf32, #tpu.memory_space<vmem_shared>>)
          tpu.yield
        }) : () -> ()
        %mul3A_95 = arith.constant 4 : i32
        %mul3A_96 = arith.muli %add3A_83, %mul3A_95 : i32
        %add3A_97 = arith.constant 2 : i32
        %add3A_98 = arith.addi %mul3A_96, %add3A_97 : i32
        "tpu.region"() ({
          %run_scoped3A = tpu.sem_alloc : memref<!tpu.dma_semaphore, #tpu.memory_space<semaphore_mem>>
          %dma_start3A = arith.constant 256 : i32
          %dma_start3A_103 = arith.constant 0 : i32
          %dma_start3A_104 = tpu.memref_slice %arg7[%dma_start3A, %dma_start3A_103] : memref<512x32xf32, #tpu.memory_space<vmem>> -> memref<128x32xf32, #tpu.memory_space<vmem>>
          %dma_start3A_105 = arith.constant 0 : i32
          %dma_start3A_106 = tpu.memref_slice %arg8[%add3A_98, %dma_start3A_105] : memref<32x128xi32, #tpu.memory_space<vmem>> -> memref<1x128xi32, #tpu.memory_space<vmem>>
          %dma_start3A_107 = tpu.memref_squeeze %dma_start3A_106 : memref<1x128xi32, #tpu.memory_space<vmem>> -> memref<128xi32, #tpu.memory_space<vmem>>
          %dma_start3A_108 = arith.constant 0 : i32
          %dma_start3A_109 = arith.constant 0 : i32
          %dma_start3A_110 = tpu.memref_slice %arg6[%dma_start3A_108, %dma_start3A_109] : memref<32768x32xf32, #tpu.memory_space<vmem_shared>> -> memref<32768x32xf32, #tpu.memory_space<vmem_shared>>
          tpu.enqueue_indirect_dma source(%dma_start3A_104 : memref<128x32xf32, #tpu.memory_space<vmem>>) target(%dma_start3A_110 : memref<32768x32xf32, #tpu.memory_space<vmem_shared>>) offsets(%dma_start3A_107 : memref<128xi32, #tpu.memory_space<vmem>>) semaphore(%run_scoped3A : memref<!tpu.dma_semaphore, #tpu.memory_space<semaphore_mem>>) {add = true}
          %dma_wait3A = arith.constant 256 : i32
          %dma_wait3A_111 = arith.constant 0 : i32
          %dma_wait3A_112 = tpu.memref_slice %arg7[%dma_wait3A, %dma_wait3A_111] : memref<512x32xf32, #tpu.memory_space<vmem>> -> memref<128x32xf32, #tpu.memory_space<vmem>>
          %dma_wait3A_113 = arith.constant 0 : i32
          %dma_wait3A_114 = tpu.memref_slice %arg8[%add3A_98, %dma_wait3A_113] : memref<32x128xi32, #tpu.memory_space<vmem>> -> memref<1x128xi32, #tpu.memory_space<vmem>>
          %dma_wait3A_115 = tpu.memref_squeeze %dma_wait3A_114 : memref<1x128xi32, #tpu.memory_space<vmem>> -> memref<128xi32, #tpu.memory_space<vmem>>
          %dma_wait3A_116 = arith.constant 0 : i32
          %dma_wait3A_117 = arith.constant 0 : i32
          %dma_wait3A_118 = tpu.memref_slice %arg6[%dma_wait3A_116, %dma_wait3A_117] : memref<32768x32xf32, #tpu.memory_space<vmem_shared>> -> memref<32768x32xf32, #tpu.memory_space<vmem_shared>>
          tpu.wait_indirect_dma semaphore(%run_scoped3A : memref<!tpu.dma_semaphore, #tpu.memory_space<semaphore_mem>>) src(%dma_wait3A_112 : memref<128x32xf32, #tpu.memory_space<vmem>>) dst(%dma_wait3A_118 : memref<32768x32xf32, #tpu.memory_space<vmem_shared>>)
          tpu.yield
        }) : () -> ()
        %mul3A_99 = arith.constant 4 : i32
        %mul3A_100 = arith.muli %add3A_83, %mul3A_99 : i32
        %add3A_101 = arith.constant 3 : i32
        %add3A_102 = arith.addi %mul3A_100, %add3A_101 : i32
        "tpu.region"() ({
          %run_scoped3A = tpu.sem_alloc : memref<!tpu.dma_semaphore, #tpu.memory_space<semaphore_mem>>
          %dma_start3A = arith.constant 384 : i32
          %dma_start3A_103 = arith.constant 0 : i32
          %dma_start3A_104 = tpu.memref_slice %arg7[%dma_start3A, %dma_start3A_103] : memref<512x32xf32, #tpu.memory_space<vmem>> -> memref<128x32xf32, #tpu.memory_space<vmem>>
          %dma_start3A_105 = arith.constant 0 : i32
          %dma_start3A_106 = tpu.memref_slice %arg8[%add3A_102, %dma_start3A_105] : memref<32x128xi32, #tpu.memory_space<vmem>> -> memref<1x128xi32, #tpu.memory_space<vmem>>
          %dma_start3A_107 = tpu.memref_squeeze %dma_start3A_106 : memref<1x128xi32, #tpu.memory_space<vmem>> -> memref<128xi32, #tpu.memory_space<vmem>>
          %dma_start3A_108 = arith.constant 0 : i32
          %dma_start3A_109 = arith.constant 0 : i32
          %dma_start3A_110 = tpu.memref_slice %arg6[%dma_start3A_108, %dma_start3A_109] : memref<32768x32xf32, #tpu.memory_space<vmem_shared>> -> memref<32768x32xf32, #tpu.memory_space<vmem_shared>>
          tpu.enqueue_indirect_dma source(%dma_start3A_104 : memref<128x32xf32, #tpu.memory_space<vmem>>) target(%dma_start3A_110 : memref<32768x32xf32, #tpu.memory_space<vmem_shared>>) offsets(%dma_start3A_107 : memref<128xi32, #tpu.memory_space<vmem>>) semaphore(%run_scoped3A : memref<!tpu.dma_semaphore, #tpu.memory_space<semaphore_mem>>) {add = true}
          %dma_wait3A = arith.constant 384 : i32
          %dma_wait3A_111 = arith.constant 0 : i32
          %dma_wait3A_112 = tpu.memref_slice %arg7[%dma_wait3A, %dma_wait3A_111] : memref<512x32xf32, #tpu.memory_space<vmem>> -> memref<128x32xf32, #tpu.memory_space<vmem>>
          %dma_wait3A_113 = arith.constant 0 : i32
          %dma_wait3A_114 = tpu.memref_slice %arg8[%add3A_102, %dma_wait3A_113] : memref<32x128xi32, #tpu.memory_space<vmem>> -> memref<1x128xi32, #tpu.memory_space<vmem>>
          %dma_wait3A_115 = tpu.memref_squeeze %dma_wait3A_114 : memref<1x128xi32, #tpu.memory_space<vmem>> -> memref<128xi32, #tpu.memory_space<vmem>>
          %dma_wait3A_116 = arith.constant 0 : i32
          %dma_wait3A_117 = arith.constant 0 : i32
          %dma_wait3A_118 = tpu.memref_slice %arg6[%dma_wait3A_116, %dma_wait3A_117] : memref<32768x32xf32, #tpu.memory_space<vmem_shared>> -> memref<32768x32xf32, #tpu.memory_space<vmem_shared>>
          tpu.wait_indirect_dma semaphore(%run_scoped3A : memref<!tpu.dma_semaphore, #tpu.memory_space<semaphore_mem>>) src(%dma_wait3A_112 : memref<128x32xf32, #tpu.memory_space<vmem>>) dst(%dma_wait3A_118 : memref<32768x32xf32, #tpu.memory_space<vmem_shared>>)
          tpu.yield
        }) : () -> ()
      }
      %scan3A_39 = arith.constant 8 : i32
      %convert_element_type3A_40 = arith.extui %eq3A : i1 to i32
      %cond3A_41 = arith.constant 0 : i32
      %cond3A_42 = arith.cmpi ne, %convert_element_type3A_40, %cond3A_41 : i32
      scf.if %cond3A_42 {
        %broadcast_in_dim3A_79 = arith.constant 1.000000e+00 : f32
        %broadcast_in_dim3A_80 = vector.broadcast %broadcast_in_dim3A_79 : f32 to vector<16xf32>
        %scan3A_81 = arith.constant 0 : i32
        %scan3A_82 = arith.constant 32 : i32
        %scan3A_83 = arith.addi %scan3A_81, %scan3A_82 : i32
        %scan3A_84 = arith.constant 1 : i32
        scf.for %scan3A_86 = %scan3A_81 to %scan3A_83 step %scan3A_84  : i32 {
          %mul3A_87 = arith.constant 1 : i32
          %mul3A_88 = arith.muli %scan3A_86, %mul3A_87 : i32
          %add3A_89 = arith.constant 0 : i32
          %add3A_90 = arith.addi %add3A_89, %mul3A_88 : i32
          %get3A = arith.index_cast %add3A_90 : i32 to index
          %get3A_91 = arith.constant 0 : index
          %get3A_92 = tpu.vector_load %arg8[%get3A, %get3A_91] {strides = array<i32>} : memref<32x128xi32, #tpu.memory_space<vmem>>, vector<16xi32>,
          %shift_right_logical3A = arith.constant 7 : i32
          %shift_right_logical3A_93 = vector.broadcast %shift_right_logical3A : i32 to vector<16xi32>
          %shift_right_logical3A_94 = arith.shrui %get3A_92, %shift_right_logical3A_93 : vector<16xi32>
          %and3A = arith.constant 127 : i32
          %and3A_95 = vector.broadcast %and3A : i32 to vector<16xi32>
          %and3A_96 = arith.andi %get3A_92, %and3A_95 : vector<16xi32>
          tpu.vector_store_idx %arg9[%shift_right_logical3A_94, %and3A_96], %broadcast_in_dim3A_80 {add = true} : memref<256x128xf32, #tpu.memory_space<vmem>>[vector<16xi32>, vector<16xi32>], vector<16xf32>,
          %get3A_97 = arith.index_cast %add3A_90 : i32 to index
          %get3A_98 = arith.constant 16 : index
          %get3A_99 = tpu.vector_load %arg8[%get3A_97, %get3A_98] {strides = array<i32>} : memref<32x128xi32, #tpu.memory_space<vmem>>, vector<16xi32>,
          %shift_right_logical3A_100 = arith.constant 7 : i32
          %shift_right_logical3A_101 = vector.broadcast %shift_right_logical3A_100 : i32 to vector<16xi32>
          %shift_right_logical3A_102 = arith.shrui %get3A_99, %shift_right_logical3A_101 : vector<16xi32>
          %and3A_103 = arith.constant 127 : i32
          %and3A_104 = vector.broadcast %and3A_103 : i32 to vector<16xi32>
          %and3A_105 = arith.andi %get3A_99, %and3A_104 : vector<16xi32>
          tpu.vector_store_idx %arg9[%shift_right_logical3A_102, %and3A_105], %broadcast_in_dim3A_80 {add = true} : memref<256x128xf32, #tpu.memory_space<vmem>>[vector<16xi32>, vector<16xi32>], vector<16xf32>,
          %get3A_106 = arith.index_cast %add3A_90 : i32 to index
          %get3A_107 = arith.constant 32 : index
          %get3A_108 = tpu.vector_load %arg8[%get3A_106, %get3A_107] {strides = array<i32>} : memref<32x128xi32, #tpu.memory_space<vmem>>, vector<16xi32>,
          %shift_right_logical3A_109 = arith.constant 7 : i32
          %shift_right_logical3A_110 = vector.broadcast %shift_right_logical3A_109 : i32 to vector<16xi32>
          %shift_right_logical3A_111 = arith.shrui %get3A_108, %shift_right_logical3A_110 : vector<16xi32>
          %and3A_112 = arith.constant 127 : i32
          %and3A_113 = vector.broadcast %and3A_112 : i32 to vector<16xi32>
          %and3A_114 = arith.andi %get3A_108, %and3A_113 : vector<16xi32>
          tpu.vector_store_idx %arg9[%shift_right_logical3A_111, %and3A_114], %broadcast_in_dim3A_80 {add = true} : memref<256x128xf32, #tpu.memory_space<vmem>>[vector<16xi32>, vector<16xi32>], vector<16xf32>,
          %get3A_115 = arith.index_cast %add3A_90 : i32 to index
          %get3A_116 = arith.constant 48 : index
          %get3A_117 = tpu.vector_load %arg8[%get3A_115, %get3A_116] {strides = array<i32>} : memref<32x128xi32, #tpu.memory_space<vmem>>, vector<16xi32>,
          %shift_right_logical3A_118 = arith.constant 7 : i32
          %shift_right_logical3A_119 = vector.broadcast %shift_right_logical3A_118 : i32 to vector<16xi32>
          %shift_right_logical3A_120 = arith.shrui %get3A_117, %shift_right_logical3A_119 : vector<16xi32>
          %and3A_121 = arith.constant 127 : i32
          %and3A_122 = vector.broadcast %and3A_121 : i32 to vector<16xi32>
          %and3A_123 = arith.andi %get3A_117, %and3A_122 : vector<16xi32>
          tpu.vector_store_idx %arg9[%shift_right_logical3A_120, %and3A_123], %broadcast_in_dim3A_80 {add = true} : memref<256x128xf32, #tpu.memory_space<vmem>>[vector<16xi32>, vector<16xi32>], vector<16xf32>,
          %get3A_124 = arith.index_cast %add3A_90 : i32 to index
          %get3A_125 = arith.constant 64 : index
          %get3A_126 = tpu.vector_load %arg8[%get3A_124, %get3A_125] {strides = array<i32>} : memref<32x128xi32, #tpu.memory_space<vmem>>, vector<16xi32>,
          %shift_right_logical3A_127 = arith.constant 7 : i32
          %shift_right_logical3A_128 = vector.broadcast %shift_right_logical3A_127 : i32 to vector<16xi32>
          %shift_right_logical3A_129 = arith.shrui %get3A_126, %shift_right_logical3A_128 : vector<16xi32>
          %and3A_130 = arith.constant 127 : i32
          %and3A_131 = vector.broadcast %and3A_130 : i32 to vector<16xi32>
          %and3A_132 = arith.andi %get3A_126, %and3A_131 : vector<16xi32>
          tpu.vector_store_idx %arg9[%shift_right_logical3A_129, %and3A_132], %broadcast_in_dim3A_80 {add = true} : memref<256x128xf32, #tpu.memory_space<vmem>>[vector<16xi32>, vector<16xi32>], vector<16xf32>,
          %get3A_133 = arith.index_cast %add3A_90 : i32 to index
          %get3A_134 = arith.constant 80 : index
          %get3A_135 = tpu.vector_load %arg8[%get3A_133, %get3A_134] {strides = array<i32>} : memref<32x128xi32, #tpu.memory_space<vmem>>, vector<16xi32>,
          %shift_right_logical3A_136 = arith.constant 7 : i32
          %shift_right_logical3A_137 = vector.broadcast %shift_right_logical3A_136 : i32 to vector<16xi32>
          %shift_right_logical3A_138 = arith.shrui %get3A_135, %shift_right_logical3A_137 : vector<16xi32>
          %and3A_139 = arith.constant 127 : i32
          %and3A_140 = vector.broadcast %and3A_139 : i32 to vector<16xi32>
          %and3A_141 = arith.andi %get3A_135, %and3A_140 : vector<16xi32>
          tpu.vector_store_idx %arg9[%shift_right_logical3A_138, %and3A_141], %broadcast_in_dim3A_80 {add = true} : memref<256x128xf32, #tpu.memory_space<vmem>>[vector<16xi32>, vector<16xi32>], vector<16xf32>,
          %get3A_142 = arith.index_cast %add3A_90 : i32 to index
          %get3A_143 = arith.constant 96 : index
          %get3A_144 = tpu.vector_load %arg8[%get3A_142, %get3A_143] {strides = array<i32>} : memref<32x128xi32, #tpu.memory_space<vmem>>, vector<16xi32>,
          %shift_right_logical3A_145 = arith.constant 7 : i32
          %shift_right_logical3A_146 = vector.broadcast %shift_right_logical3A_145 : i32 to vector<16xi32>
          %shift_right_logical3A_147 = arith.shrui %get3A_144, %shift_right_logical3A_146 : vector<16xi32>
          %and3A_148 = arith.constant 127 : i32
          %and3A_149 = vector.broadcast %and3A_148 : i32 to vector<16xi32>
          %and3A_150 = arith.andi %get3A_144, %and3A_149 : vector<16xi32>
          tpu.vector_store_idx %arg9[%shift_right_logical3A_147, %and3A_150], %broadcast_in_dim3A_80 {add = true} : memref<256x128xf32, #tpu.memory_space<vmem>>[vector<16xi32>, vector<16xi32>], vector<16xf32>,
          %get3A_151 = arith.index_cast %add3A_90 : i32 to index
          %get3A_152 = arith.constant 112 : index
          %get3A_153 = tpu.vector_load %arg8[%get3A_151, %get3A_152] {strides = array<i32>} : memref<32x128xi32, #tpu.memory_space<vmem>>, vector<16xi32>,
          %shift_right_logical3A_154 = arith.constant 7 : i32
          %shift_right_logical3A_155 = vector.broadcast %shift_right_logical3A_154 : i32 to vector<16xi32>
          %shift_right_logical3A_156 = arith.shrui %get3A_153, %shift_right_logical3A_155 : vector<16xi32>
          %and3A_157 = arith.constant 127 : i32
          %and3A_158 = vector.broadcast %and3A_157 : i32 to vector<16xi32>
          %and3A_159 = arith.andi %get3A_153, %and3A_158 : vector<16xi32>
          tpu.vector_store_idx %arg9[%shift_right_logical3A_156, %and3A_159], %broadcast_in_dim3A_80 {add = true} : memref<256x128xf32, #tpu.memory_space<vmem>>[vector<16xi32>, vector<16xi32>], vector<16xf32>,
        }
        %scan3A_85 = arith.constant 32 : i32
      } else {
      }
      %barrier3A_43 = arith.constant 0 : index
      tpu.barrier barrier_id(%barrier3A_43)
      %add3A_44 = arith.constant 0 : i32
      %add3A_45 = arith.addi %mul3A_14, %add3A_44 : i32
      %add3A_46 = arith.constant 0 : i32
      %add3A_47 = arith.addi %mul3A_14, %add3A_46 : i32
      "tpu.region"() ({
        %run_scoped3A = tpu.sem_alloc : memref<!tpu.dma_semaphore, #tpu.memory_space<semaphore_mem>>
        %dma_start3A = arith.constant 0 : i32
        %dma_start3A_79 = tpu.memref_slice %arg4[%arg0, %add3A_12, %add3A_47, %dma_start3A] : memref<2x8x32768x32xf32, #tpu.memory_space<hbm>> -> memref<1x1x256x32xf32, #tpu.memory_space<hbm>>
        %dma_start3A_80 = tpu.memref_squeeze %dma_start3A_79 : memref<1x1x256x32xf32, #tpu.memory_space<hbm>> -> memref<256x32xf32, #tpu.memory_space<hbm>>
        %dma_start3A_81 = arith.constant 0 : i32
        %dma_start3A_82 = tpu.memref_slice %arg6[%add3A_45, %dma_start3A_81] : memref<32768x32xf32, #tpu.memory_space<vmem_shared>> -> memref<256x32xf32, #tpu.memory_space<vmem_shared>>
        tpu.enqueue_dma source(%dma_start3A_82 : memref<256x32xf32, #tpu.memory_space<vmem_shared>>) target(%dma_start3A_80 : memref<256x32xf32, #tpu.memory_space<hbm>>) target_semaphore(%run_scoped3A : memref<!tpu.dma_semaphore, #tpu.memory_space<semaphore_mem>>)
        %dma_wait3A = arith.constant 0 : i32
        %dma_wait3A_83 = tpu.memref_slice %arg4[%arg0, %add3A_12, %add3A_47, %dma_wait3A] : memref<2x8x32768x32xf32, #tpu.memory_space<hbm>> -> memref<1x1x256x32xf32, #tpu.memory_space<hbm>>
        %dma_wait3A_84 = tpu.memref_squeeze %dma_wait3A_83 : memref<1x1x256x32xf32, #tpu.memory_space<hbm>> -> memref<256x32xf32, #tpu.memory_space<hbm>>
        %dma_wait3A_85 = arith.constant 0 : i32
        %dma_wait3A_86 = tpu.memref_slice %arg6[%add3A_45, %dma_wait3A_85] : memref<32768x32xf32, #tpu.memory_space<vmem_shared>> -> memref<256x32xf32, #tpu.memory_space<vmem_shared>>
        tpu.wait_dma2 semaphore(%run_scoped3A : memref<!tpu.dma_semaphore, #tpu.memory_space<semaphore_mem>>) src(%dma_wait3A_86 : memref<256x32xf32, #tpu.memory_space<vmem_shared>>) dst(%dma_wait3A_84 : memref<256x32xf32, #tpu.memory_space<hbm>>)
        tpu.yield
      }) : () -> ()
      %add3A_48 = arith.constant 256 : i32
      %add3A_49 = arith.addi %mul3A_14, %add3A_48 : i32
      %add3A_50 = arith.constant 256 : i32
      %add3A_51 = arith.addi %mul3A_14, %add3A_50 : i32
      "tpu.region"() ({
        %run_scoped3A = tpu.sem_alloc : memref<!tpu.dma_semaphore, #tpu.memory_space<semaphore_mem>>
        %dma_start3A = arith.constant 0 : i32
        %dma_start3A_79 = tpu.memref_slice %arg4[%arg0, %add3A_12, %add3A_51, %dma_start3A] : memref<2x8x32768x32xf32, #tpu.memory_space<hbm>> -> memref<1x1x256x32xf32, #tpu.memory_space<hbm>>
        %dma_start3A_80 = tpu.memref_squeeze %dma_start3A_79 : memref<1x1x256x32xf32, #tpu.memory_space<hbm>> -> memref<256x32xf32, #tpu.memory_space<hbm>>
        %dma_start3A_81 = arith.constant 0 : i32
        %dma_start3A_82 = tpu.memref_slice %arg6[%add3A_49, %dma_start3A_81] : memref<32768x32xf32, #tpu.memory_space<vmem_shared>> -> memref<256x32xf32, #tpu.memory_space<vmem_shared>>
        tpu.enqueue_dma source(%dma_start3A_82 : memref<256x32xf32, #tpu.memory_space<vmem_shared>>) target(%dma_start3A_80 : memref<256x32xf32, #tpu.memory_space<hbm>>) target_semaphore(%run_scoped3A : memref<!tpu.dma_semaphore, #tpu.memory_space<semaphore_mem>>)
        %dma_wait3A = arith.constant 0 : i32
        %dma_wait3A_83 = tpu.memref_slice %arg4[%arg0, %add3A_12, %add3A_51, %dma_wait3A] : memref<2x8x32768x32xf32, #tpu.memory_space<hbm>> -> memref<1x1x256x32xf32, #tpu.memory_space<hbm>>
        %dma_wait3A_84 = tpu.memref_squeeze %dma_wait3A_83 : memref<1x1x256x32xf32, #tpu.memory_space<hbm>> -> memref<256x32xf32, #tpu.memory_space<hbm>>
        %dma_wait3A_85 = arith.constant 0 : i32
        %dma_wait3A_86 = tpu.memref_slice %arg6[%add3A_49, %dma_wait3A_85] : memref<32768x32xf32, #tpu.memory_space<vmem_shared>> -> memref<256x32xf32, #tpu.memory_space<vmem_shared>>
        tpu.wait_dma2 semaphore(%run_scoped3A : memref<!tpu.dma_semaphore, #tpu.memory_space<semaphore_mem>>) src(%dma_wait3A_86 : memref<256x32xf32, #tpu.memory_space<vmem_shared>>) dst(%dma_wait3A_84 : memref<256x32xf32, #tpu.memory_space<hbm>>)
        tpu.yield
      }) : () -> ()
      %add3A_52 = arith.constant 512 : i32
      %add3A_53 = arith.addi %mul3A_14, %add3A_52 : i32
      %add3A_54 = arith.constant 512 : i32
      %add3A_55 = arith.addi %mul3A_14, %add3A_54 : i32
      "tpu.region"() ({
        %run_scoped3A = tpu.sem_alloc : memref<!tpu.dma_semaphore, #tpu.memory_space<semaphore_mem>>
        %dma_start3A = arith.constant 0 : i32
        %dma_start3A_79 = tpu.memref_slice %arg4[%arg0, %add3A_12, %add3A_55, %dma_start3A] : memref<2x8x32768x32xf32, #tpu.memory_space<hbm>> -> memref<1x1x256x32xf32, #tpu.memory_space<hbm>>
        %dma_start3A_80 = tpu.memref_squeeze %dma_start3A_79 : memref<1x1x256x32xf32, #tpu.memory_space<hbm>> -> memref<256x32xf32, #tpu.memory_space<hbm>>
        %dma_start3A_81 = arith.constant 0 : i32
        %dma_start3A_82 = tpu.memref_slice %arg6[%add3A_53, %dma_start3A_81] : memref<32768x32xf32, #tpu.memory_space<vmem_shared>> -> memref<256x32xf32, #tpu.memory_space<vmem_shared>>
        tpu.enqueue_dma source(%dma_start3A_82 : memref<256x32xf32, #tpu.memory_space<vmem_shared>>) target(%dma_start3A_80 : memref<256x32xf32, #tpu.memory_space<hbm>>) target_semaphore(%run_scoped3A : memref<!tpu.dma_semaphore, #tpu.memory_space<semaphore_mem>>)
        %dma_wait3A = arith.constant 0 : i32
        %dma_wait3A_83 = tpu.memref_slice %arg4[%arg0, %add3A_12, %add3A_55, %dma_wait3A] : memref<2x8x32768x32xf32, #tpu.memory_space<hbm>> -> memref<1x1x256x32xf32, #tpu.memory_space<hbm>>
        %dma_wait3A_84 = tpu.memref_squeeze %dma_wait3A_83 : memref<1x1x256x32xf32, #tpu.memory_space<hbm>> -> memref<256x32xf32, #tpu.memory_space<hbm>>
        %dma_wait3A_85 = arith.constant 0 : i32
        %dma_wait3A_86 = tpu.memref_slice %arg6[%add3A_53, %dma_wait3A_85] : memref<32768x32xf32, #tpu.memory_space<vmem_shared>> -> memref<256x32xf32, #tpu.memory_space<vmem_shared>>
        tpu.wait_dma2 semaphore(%run_scoped3A : memref<!tpu.dma_semaphore, #tpu.memory_space<semaphore_mem>>) src(%dma_wait3A_86 : memref<256x32xf32, #tpu.memory_space<vmem_shared>>) dst(%dma_wait3A_84 : memref<256x32xf32, #tpu.memory_space<hbm>>)
        tpu.yield
      }) : () -> ()
      %add3A_56 = arith.constant 768 : i32
      %add3A_57 = arith.addi %mul3A_14, %add3A_56 : i32
      %add3A_58 = arith.constant 768 : i32
      %add3A_59 = arith.addi %mul3A_14, %add3A_58 : i32
      "tpu.region"() ({
        %run_scoped3A = tpu.sem_alloc : memref<!tpu.dma_semaphore, #tpu.memory_space<semaphore_mem>>
        %dma_start3A = arith.constant 0 : i32
        %dma_start3A_79 = tpu.memref_slice %arg4[%arg0, %add3A_12, %add3A_59, %dma_start3A] : memref<2x8x32768x32xf32, #tpu.memory_space<hbm>> -> memref<1x1x256x32xf32, #tpu.memory_space<hbm>>
        %dma_start3A_80 = tpu.memref_squeeze %dma_start3A_79 : memref<1x1x256x32xf32, #tpu.memory_space<hbm>> -> memref<256x32xf32, #tpu.memory_space<hbm>>
        %dma_start3A_81 = arith.constant 0 : i32
        %dma_start3A_82 = tpu.memref_slice %arg6[%add3A_57, %dma_start3A_81] : memref<32768x32xf32, #tpu.memory_space<vmem_shared>> -> memref<256x32xf32, #tpu.memory_space<vmem_shared>>
        tpu.enqueue_dma source(%dma_start3A_82 : memref<256x32xf32, #tpu.memory_space<vmem_shared>>) target(%dma_start3A_80 : memref<256x32xf32, #tpu.memory_space<hbm>>) target_semaphore(%run_scoped3A : memref<!tpu.dma_semaphore, #tpu.memory_space<semaphore_mem>>)
        %dma_wait3A = arith.constant 0 : i32
        %dma_wait3A_83 = tpu.memref_slice %arg4[%arg0, %add3A_12, %add3A_59, %dma_wait3A] : memref<2x8x32768x32xf32, #tpu.memory_space<hbm>> -> memref<1x1x256x32xf32, #tpu.memory_space<hbm>>
        %dma_wait3A_84 = tpu.memref_squeeze %dma_wait3A_83 : memref<1x1x256x32xf32, #tpu.memory_space<hbm>> -> memref<256x32xf32, #tpu.memory_space<hbm>>
        %dma_wait3A_85 = arith.constant 0 : i32
        %dma_wait3A_86 = tpu.memref_slice %arg6[%add3A_57, %dma_wait3A_85] : memref<32768x32xf32, #tpu.memory_space<vmem_shared>> -> memref<256x32xf32, #tpu.memory_space<vmem_shared>>
        tpu.wait_dma2 semaphore(%run_scoped3A : memref<!tpu.dma_semaphore, #tpu.memory_space<semaphore_mem>>) src(%dma_wait3A_86 : memref<256x32xf32, #tpu.memory_space<vmem_shared>>) dst(%dma_wait3A_84 : memref<256x32xf32, #tpu.memory_space<hbm>>)
        tpu.yield
      }) : () -> ()
      %add3A_60 = arith.constant 1024 : i32
      %add3A_61 = arith.addi %mul3A_14, %add3A_60 : i32
      %add3A_62 = arith.constant 1024 : i32
      %add3A_63 = arith.addi %mul3A_14, %add3A_62 : i32
      "tpu.region"() ({
        %run_scoped3A = tpu.sem_alloc : memref<!tpu.dma_semaphore, #tpu.memory_space<semaphore_mem>>
        %dma_start3A = arith.constant 0 : i32
        %dma_start3A_79 = tpu.memref_slice %arg4[%arg0, %add3A_12, %add3A_63, %dma_start3A] : memref<2x8x32768x32xf32, #tpu.memory_space<hbm>> -> memref<1x1x256x32xf32, #tpu.memory_space<hbm>>
        %dma_start3A_80 = tpu.memref_squeeze %dma_start3A_79 : memref<1x1x256x32xf32, #tpu.memory_space<hbm>> -> memref<256x32xf32, #tpu.memory_space<hbm>>
        %dma_start3A_81 = arith.constant 0 : i32
        %dma_start3A_82 = tpu.memref_slice %arg6[%add3A_61, %dma_start3A_81] : memref<32768x32xf32, #tpu.memory_space<vmem_shared>> -> memref<256x32xf32, #tpu.memory_space<vmem_shared>>
        tpu.enqueue_dma source(%dma_start3A_82 : memref<256x32xf32, #tpu.memory_space<vmem_shared>>) target(%dma_start3A_80 : memref<256x32xf32, #tpu.memory_space<hbm>>) target_semaphore(%run_scoped3A : memref<!tpu.dma_semaphore, #tpu.memory_space<semaphore_mem>>)
        %dma_wait3A = arith.constant 0 : i32
        %dma_wait3A_83 = tpu.memref_slice %arg4[%arg0, %add3A_12, %add3A_63, %dma_wait3A] : memref<2x8x32768x32xf32, #tpu.memory_space<hbm>> -> memref<1x1x256x32xf32, #tpu.memory_space<hbm>>
        %dma_wait3A_84 = tpu.memref_squeeze %dma_wait3A_83 : memref<1x1x256x32xf32, #tpu.memory_space<hbm>> -> memref<256x32xf32, #tpu.memory_space<hbm>>
        %dma_wait3A_85 = arith.constant 0 : i32
        %dma_wait3A_86 = tpu.memref_slice %arg6[%add3A_61, %dma_wait3A_85] : memref<32768x32xf32, #tpu.memory_space<vmem_shared>> -> memref<256x32xf32, #tpu.memory_space<vmem_shared>>
        tpu.wait_dma2 semaphore(%run_scoped3A : memref<!tpu.dma_semaphore, #tpu.memory_space<semaphore_mem>>) src(%dma_wait3A_86 : memref<256x32xf32, #tpu.memory_space<vmem_shared>>) dst(%dma_wait3A_84 : memref<256x32xf32, #tpu.memory_space<hbm>>)
        tpu.yield
      }) : () -> ()
      %add3A_64 = arith.constant 1280 : i32
      %add3A_65 = arith.addi %mul3A_14, %add3A_64 : i32
      %add3A_66 = arith.constant 1280 : i32
      %add3A_67 = arith.addi %mul3A_14, %add3A_66 : i32
      "tpu.region"() ({
        %run_scoped3A = tpu.sem_alloc : memref<!tpu.dma_semaphore, #tpu.memory_space<semaphore_mem>>
        %dma_start3A = arith.constant 0 : i32
        %dma_start3A_79 = tpu.memref_slice %arg4[%arg0, %add3A_12, %add3A_67, %dma_start3A] : memref<2x8x32768x32xf32, #tpu.memory_space<hbm>> -> memref<1x1x256x32xf32, #tpu.memory_space<hbm>>
        %dma_start3A_80 = tpu.memref_squeeze %dma_start3A_79 : memref<1x1x256x32xf32, #tpu.memory_space<hbm>> -> memref<256x32xf32, #tpu.memory_space<hbm>>
        %dma_start3A_81 = arith.constant 0 : i32
        %dma_start3A_82 = tpu.memref_slice %arg6[%add3A_65, %dma_start3A_81] : memref<32768x32xf32, #tpu.memory_space<vmem_shared>> -> memref<256x32xf32, #tpu.memory_space<vmem_shared>>
        tpu.enqueue_dma source(%dma_start3A_82 : memref<256x32xf32, #tpu.memory_space<vmem_shared>>) target(%dma_start3A_80 : memref<256x32xf32, #tpu.memory_space<hbm>>) target_semaphore(%run_scoped3A : memref<!tpu.dma_semaphore, #tpu.memory_space<semaphore_mem>>)
        %dma_wait3A = arith.constant 0 : i32
        %dma_wait3A_83 = tpu.memref_slice %arg4[%arg0, %add3A_12, %add3A_67, %dma_wait3A] : memref<2x8x32768x32xf32, #tpu.memory_space<hbm>> -> memref<1x1x256x32xf32, #tpu.memory_space<hbm>>
        %dma_wait3A_84 = tpu.memref_squeeze %dma_wait3A_83 : memref<1x1x256x32xf32, #tpu.memory_space<hbm>> -> memref<256x32xf32, #tpu.memory_space<hbm>>
        %dma_wait3A_85 = arith.constant 0 : i32
        %dma_wait3A_86 = tpu.memref_slice %arg6[%add3A_65, %dma_wait3A_85] : memref<32768x32xf32, #tpu.memory_space<vmem_shared>> -> memref<256x32xf32, #tpu.memory_space<vmem_shared>>
        tpu.wait_dma2 semaphore(%run_scoped3A : memref<!tpu.dma_semaphore, #tpu.memory_space<semaphore_mem>>) src(%dma_wait3A_86 : memref<256x32xf32, #tpu.memory_space<vmem_shared>>) dst(%dma_wait3A_84 : memref<256x32xf32, #tpu.memory_space<hbm>>)
        tpu.yield
      }) : () -> ()
      %add3A_68 = arith.constant 1536 : i32
      %add3A_69 = arith.addi %mul3A_14, %add3A_68 : i32
      %add3A_70 = arith.constant 1536 : i32
      %add3A_71 = arith.addi %mul3A_14, %add3A_70 : i32
      "tpu.region"() ({
        %run_scoped3A = tpu.sem_alloc : memref<!tpu.dma_semaphore, #tpu.memory_space<semaphore_mem>>
        %dma_start3A = arith.constant 0 : i32
        %dma_start3A_79 = tpu.memref_slice %arg4[%arg0, %add3A_12, %add3A_71, %dma_start3A] : memref<2x8x32768x32xf32, #tpu.memory_space<hbm>> -> memref<1x1x256x32xf32, #tpu.memory_space<hbm>>
        %dma_start3A_80 = tpu.memref_squeeze %dma_start3A_79 : memref<1x1x256x32xf32, #tpu.memory_space<hbm>> -> memref<256x32xf32, #tpu.memory_space<hbm>>
        %dma_start3A_81 = arith.constant 0 : i32
        %dma_start3A_82 = tpu.memref_slice %arg6[%add3A_69, %dma_start3A_81] : memref<32768x32xf32, #tpu.memory_space<vmem_shared>> -> memref<256x32xf32, #tpu.memory_space<vmem_shared>>
        tpu.enqueue_dma source(%dma_start3A_82 : memref<256x32xf32, #tpu.memory_space<vmem_shared>>) target(%dma_start3A_80 : memref<256x32xf32, #tpu.memory_space<hbm>>) target_semaphore(%run_scoped3A : memref<!tpu.dma_semaphore, #tpu.memory_space<semaphore_mem>>)
        %dma_wait3A = arith.constant 0 : i32
        %dma_wait3A_83 = tpu.memref_slice %arg4[%arg0, %add3A_12, %add3A_71, %dma_wait3A] : memref<2x8x32768x32xf32, #tpu.memory_space<hbm>> -> memref<1x1x256x32xf32, #tpu.memory_space<hbm>>
        %dma_wait3A_84 = tpu.memref_squeeze %dma_wait3A_83 : memref<1x1x256x32xf32, #tpu.memory_space<hbm>> -> memref<256x32xf32, #tpu.memory_space<hbm>>
        %dma_wait3A_85 = arith.constant 0 : i32
        %dma_wait3A_86 = tpu.memref_slice %arg6[%add3A_69, %dma_wait3A_85] : memref<32768x32xf32, #tpu.memory_space<vmem_shared>> -> memref<256x32xf32, #tpu.memory_space<vmem_shared>>
        tpu.wait_dma2 semaphore(%run_scoped3A : memref<!tpu.dma_semaphore, #tpu.memory_space<semaphore_mem>>) src(%dma_wait3A_86 : memref<256x32xf32, #tpu.memory_space<vmem_shared>>) dst(%dma_wait3A_84 : memref<256x32xf32, #tpu.memory_space<hbm>>)
        tpu.yield
      }) : () -> ()
      %add3A_72 = arith.constant 1792 : i32
      %add3A_73 = arith.addi %mul3A_14, %add3A_72 : i32
      %add3A_74 = arith.constant 1792 : i32
      %add3A_75 = arith.addi %mul3A_14, %add3A_74 : i32
      "tpu.region"() ({
        %run_scoped3A = tpu.sem_alloc : memref<!tpu.dma_semaphore, #tpu.memory_space<semaphore_mem>>
        %dma_start3A = arith.constant 0 : i32
        %dma_start3A_79 = tpu.memref_slice %arg4[%arg0, %add3A_12, %add3A_75, %dma_start3A] : memref<2x8x32768x32xf32, #tpu.memory_space<hbm>> -> memref<1x1x256x32xf32, #tpu.memory_space<hbm>>
        %dma_start3A_80 = tpu.memref_squeeze %dma_start3A_79 : memref<1x1x256x32xf32, #tpu.memory_space<hbm>> -> memref<256x32xf32, #tpu.memory_space<hbm>>
        %dma_start3A_81 = arith.constant 0 : i32
        %dma_start3A_82 = tpu.memref_slice %arg6[%add3A_73, %dma_start3A_81] : memref<32768x32xf32, #tpu.memory_space<vmem_shared>> -> memref<256x32xf32, #tpu.memory_space<vmem_shared>>
        tpu.enqueue_dma source(%dma_start3A_82 : memref<256x32xf32, #tpu.memory_space<vmem_shared>>) target(%dma_start3A_80 : memref<256x32xf32, #tpu.memory_space<hbm>>) target_semaphore(%run_scoped3A : memref<!tpu.dma_semaphore, #tpu.memory_space<semaphore_mem>>)
        %dma_wait3A = arith.constant 0 : i32
        %dma_wait3A_83 = tpu.memref_slice %arg4[%arg0, %add3A_12, %add3A_75, %dma_wait3A] : memref<2x8x32768x32xf32, #tpu.memory_space<hbm>> -> memref<1x1x256x32xf32, #tpu.memory_space<hbm>>
        %dma_wait3A_84 = tpu.memref_squeeze %dma_wait3A_83 : memref<1x1x256x32xf32, #tpu.memory_space<hbm>> -> memref<256x32xf32, #tpu.memory_space<hbm>>
        %dma_wait3A_85 = arith.constant 0 : i32
        %dma_wait3A_86 = tpu.memref_slice %arg6[%add3A_73, %dma_wait3A_85] : memref<32768x32xf32, #tpu.memory_space<vmem_shared>> -> memref<256x32xf32, #tpu.memory_space<vmem_shared>>
        tpu.wait_dma2 semaphore(%run_scoped3A : memref<!tpu.dma_semaphore, #tpu.memory_space<semaphore_mem>>) src(%dma_wait3A_86 : memref<256x32xf32, #tpu.memory_space<vmem_shared>>) dst(%dma_wait3A_84 : memref<256x32xf32, #tpu.memory_space<hbm>>)
        tpu.yield
      }) : () -> ()
      %convert_element_type3A_76 = arith.extui %eq3A : i1 to i32
      %cond3A_77 = arith.constant 0 : i32
      %cond3A_78 = arith.cmpi ne, %convert_element_type3A_76, %cond3A_77 : i32
      scf.if %cond3A_78 {
        "tpu.region"() ({
          %run_scoped3A = tpu.sem_alloc : memref<!tpu.dma_semaphore, #tpu.memory_space<semaphore_mem>>
          %dma_start3A = arith.constant 0 : i32
          %dma_start3A_79 = arith.constant 0 : i32
          %dma_start3A_80 = tpu.memref_slice %arg5[%add3A_12, %arg1, %dma_start3A, %dma_start3A_79] : memref<8x16x256x128xf32, #tpu.memory_space<hbm>> -> memref<1x1x256x128xf32, #tpu.memory_space<hbm>>
          %dma_start3A_81 = tpu.memref_squeeze %dma_start3A_80 : memref<1x1x256x128xf32, #tpu.memory_space<hbm>> -> memref<256x128xf32, #tpu.memory_space<hbm>>
          %dma_start3A_82 = arith.constant 0 : i32
          %dma_start3A_83 = arith.constant 0 : i32
          %dma_start3A_84 = tpu.memref_slice %arg5[%add3A_12, %arg1, %dma_start3A_82, %dma_start3A_83] : memref<8x16x256x128xf32, #tpu.memory_space<hbm>> -> memref<1x1x256x128xf32, #tpu.memory_space<hbm>>
          %dma_start3A_85 = tpu.memref_squeeze %dma_start3A_84 : memref<1x1x256x128xf32, #tpu.memory_space<hbm>> -> memref<256x128xf32, #tpu.memory_space<hbm>>
          tpu.enqueue_dma source(%arg9 : memref<256x128xf32, #tpu.memory_space<vmem>>) target(%dma_start3A_85 : memref<256x128xf32, #tpu.memory_space<hbm>>) target_semaphore(%run_scoped3A : memref<!tpu.dma_semaphore, #tpu.memory_space<semaphore_mem>>)
          %dma_wait3A = arith.constant 0 : i32
          %dma_wait3A_86 = arith.constant 0 : i32
          %dma_wait3A_87 = tpu.memref_slice %arg5[%add3A_12, %arg1, %dma_wait3A, %dma_wait3A_86] : memref<8x16x256x128xf32, #tpu.memory_space<hbm>> -> memref<1x1x256x128xf32, #tpu.memory_space<hbm>>
          %dma_wait3A_88 = tpu.memref_squeeze %dma_wait3A_87 : memref<1x1x256x128xf32, #tpu.memory_space<hbm>> -> memref<256x128xf32, #tpu.memory_space<hbm>>
          %dma_wait3A_89 = arith.constant 0 : i32
          %dma_wait3A_90 = arith.constant 0 : i32
          %dma_wait3A_91 = tpu.memref_slice %arg5[%add3A_12, %arg1, %dma_wait3A_89, %dma_wait3A_90] : memref<8x16x256x128xf32, #tpu.memory_space<hbm>> -> memref<1x1x256x128xf32, #tpu.memory_space<hbm>>
          %dma_wait3A_92 = tpu.memref_squeeze %dma_wait3A_91 : memref<1x1x256x128xf32, #tpu.memory_space<hbm>> -> memref<256x128xf32, #tpu.memory_space<hbm>>
          tpu.wait_dma2 semaphore(%run_scoped3A : memref<!tpu.dma_semaphore, #tpu.memory_space<semaphore_mem>>) src(%arg9 : memref<256x128xf32, #tpu.memory_space<vmem>>) dst(%dma_wait3A_92 : memref<256x128xf32, #tpu.memory_space<hbm>>)
          tpu.yield
        }) : () -> ()
      } else {
      }
    }
    %scan3A_9 = arith.constant 8 : i32
    return
  }
}

module attributes {stable_mosaic.version = 14 : i64} {
  func.func @_trans_body(%arg0: i32, %arg1: i32, %arg2: i32, %arg3: memref<1x32x8192xf32, #tpu.memory_space<vmem>>, %arg4: memref<1x1x8192x32xf32, #tpu.memory_space<vmem>>) attributes {dimension_semantics = [#tpu.dimension_semantics<arbitrary>, #tpu.dimension_semantics<arbitrary>, #tpu.dimension_semantics<arbitrary>], iteration_bounds = array<i64: 2, 8, 8>, scalar_prefetch = 0 : i64, scratch_operands = 0 : i64, tpu.core_type = #tpu.core_type<tc>, window_params = [{transform_indices = @transform_0, window_bounds = array<i64: 1, 32, 8192>}, {transform_indices = @transform_1, window_bounds = array<i64: 1, 1, 8192, 32>}]} {
    %get3A = arith.constant 0 : index
    %get3A_0 = arith.constant 0 : index
    %get3A_1 = arith.constant 0 : index
    %get3A_2 = vector.load %arg3[%get3A, %get3A_0, %get3A_1] : memref<1x32x8192xf32, #tpu.memory_space<vmem>>, vector<1x32x8192xf32>
    %get3A_3 = vector.shape_cast %get3A_2 : vector<1x32x8192xf32> to vector<32x8192xf32>
    %transpose3A = tpu.transpose %get3A_3, [1, 0] : vector<32x8192xf32> -> vector<8192x32xf32>
    %swap3A = arith.constant 0 : index
    %swap3A_4 = arith.constant 0 : index
    %swap3A_5 = arith.constant 0 : index
    %swap3A_6 = arith.constant 0 : index
    %swap3A_7 = vector.load %arg4[%swap3A, %swap3A_4, %swap3A_5, %swap3A_6] : memref<1x1x8192x32xf32, #tpu.memory_space<vmem>>, vector<1x1x8192x32xf32>
    %swap3A_8 = vector.shape_cast %swap3A_7 : vector<1x1x8192x32xf32> to vector<8192x32xf32>
    %swap3A_9 = vector.shape_cast %transpose3A : vector<8192x32xf32> to vector<1x1x8192x32xf32>
    tpu.vector_store %arg4[%swap3A, %swap3A_4, %swap3A_5, %swap3A_6], %swap3A_9 {strides = array<i32>} : memref<1x1x8192x32xf32, #tpu.memory_space<vmem>>, vector<1x1x8192x32xf32>,
    return
  }
  func.func @transform_0(%arg0: i32, %arg1: i32, %arg2: i32) -> (i32, i32, i32) {
    %c0_i32 = arith.constant 0 : i32
    return %arg1, %arg0, %arg2 : i32, i32, i32
  }
  func.func @transform_1(%arg0: i32, %arg1: i32, %arg2: i32) -> (i32, i32, i32, i32) {
    %c0_i32 = arith.constant 0 : i32
    %c0_i32_0 = arith.constant 0 : i32
    return %arg0, %arg1, %arg2, %c0_i32 : i32, i32, i32, i32
  }
}

module attributes {stable_mosaic.version = 14 : i64} {
  func.func @_norm_body(%arg0: i32, %arg1: memref<1x3x65536xf32, #tpu.memory_space<vmem>>, %arg2: memref<1x3x65536xf32, #tpu.memory_space<vmem>>, %arg3: memref<1x1x65536xi32, #tpu.memory_space<vmem>>) attributes {dimension_semantics = [#tpu.dimension_semantics<arbitrary>], iteration_bounds = array<i64: 8>, scalar_prefetch = 0 : i64, scratch_operands = 0 : i64, tpu.core_type = #tpu.core_type<tc>, window_params = [{transform_indices = @transform_0, window_bounds = array<i64: 1, 3, 65536>}, {transform_indices = @transform_1, window_bounds = array<i64: 1, 3, 65536>}, {transform_indices = @transform_2, window_bounds = array<i64: 1, 1, 65536>}]} {
    %get3A = arith.constant 0 : index
    %get3A_0 = arith.constant 0 : index
    %get3A_1 = arith.constant 0 : index
    %get3A_2 = vector.load %arg1[%get3A, %get3A_0, %get3A_1] : memref<1x3x65536xf32, #tpu.memory_space<vmem>>, vector<1x3x65536xf32>
    %get3A_3 = vector.shape_cast %get3A_2 : vector<1x3x65536xf32> to vector<3x65536xf32>
    %reduce_sum3A = arith.constant dense<0.000000e+00> : vector<3xf32>
    %reduce_sum3A_4 = vector.multi_reduction <add>, %get3A_3, %reduce_sum3A [1] : vector<3x65536xf32> to vector<3xf32>
    %broadcast_in_dim3A = vector.shape_cast %reduce_sum3A_4 : vector<3xf32> to vector<3x1xf32>
    %div3A = arith.constant 6.553600e+04 : f32
    %div3A_5 = vector.broadcast %div3A : f32 to vector<3x1xf32>
    %div3A_6 = arith.divf %broadcast_in_dim3A, %div3A_5 : vector<3x1xf32>
    %sub3A = vector.broadcast %div3A_6 : vector<3x1xf32> to vector<3x65536xf32>
    %sub3A_7 = arith.subf %get3A_3, %sub3A : vector<3x65536xf32>
    %mul3A = arith.mulf %sub3A_7, %sub3A_7 : vector<3x65536xf32>
    %reduce_sum3A_8 = arith.constant dense<0.000000e+00> : vector<65536xf32>
    %reduce_sum3A_9 = vector.multi_reduction <add>, %mul3A, %reduce_sum3A_8 [0] : vector<3x65536xf32> to vector<65536xf32>
    %broadcast_in_dim3A_10 = vector.shape_cast %reduce_sum3A_9 : vector<65536xf32> to vector<1x65536xf32>
    %sqrt3A = math.sqrt %broadcast_in_dim3A_10 : vector<1x65536xf32>
    %reduce_max3A = vector.shape_cast %sqrt3A : vector<1x65536xf32> to vector<1x1x65536xf32>
    %reduce_max3A_11 = arith.constant dense<0xFF800000> : vector<1xf32>
    %reduce_max3A_12 = vector.multi_reduction <maximumf>, %reduce_max3A, %reduce_max3A_11 [1, 2] : vector<1x1x65536xf32> to vector<1xf32>
    %reduce_max3A_13 = vector.shape_cast %reduce_max3A_12 : vector<1xf32> to vector<1x1x1xf32>
    %reduce_max3A_14 = vector.extract %reduce_max3A_13[0, 0, 0] : f32 from vector<1x1x1xf32>
    %mul3A_15 = arith.constant 2.000000e+00 : f32
    %mul3A_16 = arith.mulf %reduce_max3A_14, %mul3A_15 : f32
    %div3A_17 = vector.broadcast %mul3A_16 : f32 to vector<3x65536xf32>
    %div3A_18 = arith.divf %sub3A_7, %div3A_17 : vector<3x65536xf32>
    %add3A = arith.constant 5.000000e-01 : f32
    %add3A_19 = vector.broadcast %add3A : f32 to vector<3x65536xf32>
    %add3A_20 = arith.addf %div3A_18, %add3A_19 : vector<3x65536xf32>
    %mul3A_21 = arith.constant 3.200000e+01 : f32
    %mul3A_22 = vector.broadcast %mul3A_21 : f32 to vector<3x65536xf32>
    %mul3A_23 = arith.mulf %add3A_20, %mul3A_22 : vector<3x65536xf32>
    %jit3A = arith.constant 0.000000e+00 : f32
    %jit3A_24 = arith.constant 3.100000e+01 : f32
    %max3A = vector.broadcast %jit3A : f32 to vector<3x65536xf32>
    %max3A_25 = arith.maximumf %max3A, %mul3A_23 : vector<3x65536xf32>
    %min3A = vector.broadcast %jit3A_24 : f32 to vector<3x65536xf32>
    %min3A_26 = arith.minimumf %min3A, %max3A_25 : vector<3x65536xf32>
    %swap3A = arith.constant 0 : index
    %swap3A_27 = arith.constant 0 : index
    %swap3A_28 = arith.constant 0 : index
    %swap3A_29 = vector.load %arg2[%swap3A, %swap3A_27, %swap3A_28] : memref<1x3x65536xf32, #tpu.memory_space<vmem>>, vector<1x3x65536xf32>
    %swap3A_30 = vector.shape_cast %swap3A_29 : vector<1x3x65536xf32> to vector<3x65536xf32>
    %swap3A_31 = vector.shape_cast %min3A_26 : vector<3x65536xf32> to vector<1x3x65536xf32>
    tpu.vector_store %arg2[%swap3A, %swap3A_27, %swap3A_28], %swap3A_31 {strides = array<i32>} : memref<1x3x65536xf32, #tpu.memory_space<vmem>>, vector<1x3x65536xf32>,
    %round3A = math.roundeven %min3A_26 : vector<3x65536xf32>
    %convert_element_type3A = arith.fptosi %round3A : vector<3x65536xf32> to vector<3x65536xi32>
    %slice3A = vector.extract_strided_slice %convert_element_type3A {offsets = [0, 0], sizes = [1, 65536], strides = [1, 1]} : vector<3x65536xi32> to vector<1x65536xi32>
    %mul3A_32 = arith.constant 1024 : i32
    %mul3A_33 = vector.broadcast %mul3A_32 : i32 to vector<1x65536xi32>
    %mul3A_34 = arith.muli %slice3A, %mul3A_33 : vector<1x65536xi32>
    %slice3A_35 = vector.extract_strided_slice %convert_element_type3A {offsets = [1, 0], sizes = [1, 65536], strides = [1, 1]} : vector<3x65536xi32> to vector<1x65536xi32>
    %mul3A_36 = arith.constant 32 : i32
    %mul3A_37 = vector.broadcast %mul3A_36 : i32 to vector<1x65536xi32>
    %mul3A_38 = arith.muli %slice3A_35, %mul3A_37 : vector<1x65536xi32>
    %add3A_39 = arith.addi %mul3A_34, %mul3A_38 : vector<1x65536xi32>
    %slice3A_40 = vector.extract_strided_slice %convert_element_type3A {offsets = [2, 0], sizes = [1, 65536], strides = [1, 1]} : vector<3x65536xi32> to vector<1x65536xi32>
    %add3A_41 = arith.addi %add3A_39, %slice3A_40 : vector<1x65536xi32>
    %swap3A_42 = arith.constant 0 : index
    %swap3A_43 = arith.constant 0 : index
    %swap3A_44 = arith.constant 0 : index
    %swap3A_45 = vector.load %arg3[%swap3A_42, %swap3A_43, %swap3A_44] : memref<1x1x65536xi32, #tpu.memory_space<vmem>>, vector<1x1x65536xi32>
    %swap3A_46 = vector.shape_cast %swap3A_45 : vector<1x1x65536xi32> to vector<1x65536xi32>
    %swap3A_47 = vector.shape_cast %add3A_41 : vector<1x65536xi32> to vector<1x1x65536xi32>
    tpu.vector_store %arg3[%swap3A_42, %swap3A_43, %swap3A_44], %swap3A_47 {strides = array<i32>} : memref<1x1x65536xi32, #tpu.memory_space<vmem>>, vector<1x1x65536xi32>,
    return
  }
  func.func @transform_0(%arg0: i32) -> (i32, i32, i32) {
    %c0_i32 = arith.constant 0 : i32
    %c0_i32_0 = arith.constant 0 : i32
    %c0_i32_1 = arith.constant 0 : i32
    return %arg0, %c0_i32, %c0_i32_0 : i32, i32, i32
  }
  func.func @transform_1(%arg0: i32) -> (i32, i32, i32) {
    %c0_i32 = arith.constant 0 : i32
    %c0_i32_0 = arith.constant 0 : i32
    %c0_i32_1 = arith.constant 0 : i32
    return %arg0, %c0_i32, %c0_i32_0 : i32, i32, i32
  }
  func.func @transform_2(%arg0: i32) -> (i32, i32, i32) {
    %c0_i32 = arith.constant 0 : i32
    %c0_i32_0 = arith.constant 0 : i32
    %c0_i32_1 = arith.constant 0 : i32
    return %arg0, %c0_i32, %c0_i32_0 : i32, i32, i32
  }
}

module attributes {stable_mosaic.version = 14 : i64} {
  func.func @_final_body(%arg0: i32, %arg1: i32, %arg2: i32, %arg3: memref<1x1x8192x32xf32, #tpu.memory_space<vmem>>, %arg4: memref<1x16x8192xf32, #tpu.memory_space<vmem>>, %arg5: memref<1x32x8192xf32, #tpu.memory_space<vmem>>) attributes {dimension_semantics = [#tpu.dimension_semantics<arbitrary>, #tpu.dimension_semantics<arbitrary>, #tpu.dimension_semantics<arbitrary>], iteration_bounds = array<i64: 8, 2, 4>, scalar_prefetch = 0 : i64, scratch_operands = 0 : i64, tpu.core_type = #tpu.core_type<tc>, window_params = [{transform_indices = @transform_0, window_bounds = array<i64: 1, 1, 8192, 32>}, {transform_indices = @transform_1, window_bounds = array<i64: 1, 16, 8192>}, {transform_indices = @transform_2, window_bounds = array<i64: 1, 32, 8192>}]} {
    %get3A = arith.constant 0 : index
    %get3A_0 = arith.constant 0 : index
    %get3A_1 = arith.constant 0 : index
    %get3A_2 = vector.load %arg4[%get3A, %get3A_0, %get3A_1] : memref<1x16x8192xf32, #tpu.memory_space<vmem>>, vector<1x16x8192xf32>
    %get3A_3 = vector.shape_cast %get3A_2 : vector<1x16x8192xf32> to vector<16x8192xf32>
    %reduce_sum3A = arith.constant dense<0.000000e+00> : vector<8192xf32>
    %reduce_sum3A_4 = vector.multi_reduction <add>, %get3A_3, %reduce_sum3A [0] : vector<16x8192xf32> to vector<8192xf32>
    %max3A = arith.constant 1.000000e+00 : f32
    %max3A_5 = vector.broadcast %max3A : f32 to vector<8192xf32>
    %max3A_6 = arith.maximumf %reduce_sum3A_4, %max3A_5 : vector<8192xf32>
    %get3A_7 = arith.constant 0 : index
    %get3A_8 = arith.constant 0 : index
    %get3A_9 = arith.constant 0 : index
    %get3A_10 = arith.constant 0 : index
    %get3A_11 = vector.load %arg3[%get3A_7, %get3A_8, %get3A_9, %get3A_10] : memref<1x1x8192x32xf32, #tpu.memory_space<vmem>>, vector<1x1x8192x32xf32>
    %get3A_12 = vector.shape_cast %get3A_11 : vector<1x1x8192x32xf32> to vector<8192x32xf32>
    %transpose3A = tpu.transpose %get3A_12, [1, 0] : vector<8192x32xf32> -> vector<32x8192xf32>
    %broadcast_in_dim3A = vector.shape_cast %max3A_6 : vector<8192xf32> to vector<1x8192xf32>
    %div3A = vector.broadcast %broadcast_in_dim3A : vector<1x8192xf32> to vector<32x8192xf32>
    %div3A_13 = arith.divf %transpose3A, %div3A : vector<32x8192xf32>
    %swap3A = arith.constant 0 : index
    %swap3A_14 = arith.constant 0 : index
    %swap3A_15 = arith.constant 0 : index
    %swap3A_16 = vector.load %arg5[%swap3A, %swap3A_14, %swap3A_15] : memref<1x32x8192xf32, #tpu.memory_space<vmem>>, vector<1x32x8192xf32>
    %swap3A_17 = vector.shape_cast %swap3A_16 : vector<1x32x8192xf32> to vector<32x8192xf32>
    %swap3A_18 = vector.shape_cast %div3A_13 : vector<32x8192xf32> to vector<1x32x8192xf32>
    tpu.vector_store %arg5[%swap3A, %swap3A_14, %swap3A_15], %swap3A_18 {strides = array<i32>} : memref<1x32x8192xf32, #tpu.memory_space<vmem>>, vector<1x32x8192xf32>,
    return
  }
  func.func @transform_0(%arg0: i32, %arg1: i32, %arg2: i32) -> (i32, i32, i32, i32) {
    %c0_i32 = arith.constant 0 : i32
    %c0_i32_0 = arith.constant 0 : i32
    return %arg1, %arg0, %arg2, %c0_i32 : i32, i32, i32, i32
  }
  func.func @transform_1(%arg0: i32, %arg1: i32, %arg2: i32) -> (i32, i32, i32) {
    %c0_i32 = arith.constant 0 : i32
    %c0_i32_0 = arith.constant 0 : i32
    return %arg0, %c0_i32, %arg2 : i32, i32, i32
  }
  func.func @transform_2(%arg0: i32, %arg1: i32, %arg2: i32) -> (i32, i32, i32) {
    %c0_i32 = arith.constant 0 : i32
    return %arg0, %arg1, %arg2 : i32, i32, i32
  }
}

</mosaic_0001>

<sc_bundles>
// kernel: kernel.6.cloned.1.call-start
scs
__scs_entry_jumppad:
0x0: {  	(pc) =	sbr.rel $0x88, $3  }
0x1: {  	(tag) =	ssettag $0x0;
	lr =	simm.s32 $0x1  }
0x2: {  	[smem:$0x3F9F] =	sst lr;
	_ =	strace $0xD0000000  }
0x3: {  	_ = 	snop  }
0x4: {  	_ = 	snop  }
0x5: {  	_ = 	snop  }
0x6: {  	_ = 	snop  }
0x7: {  	_ = 	snop  }
__scs_overlays_trampoline_lowered:
0x8: {  	[smem:$0x3FAE] =	sst s0  }
0x9: {  	[smem:$0x3FAF] =	sst s1  }
0xa: {  	[smem:$0x3FB0] =	sst s2  }
0xb: {  	[smem:$0x3FB1] =	sst s3  }
0xc: {  	[smem:$0x3FB2] =	sst s4  }
0xd: {  	[smem:$0x3FB3] =	sst s5  }
0xe: {  	[smem:$0x3FB4] =	sst s6  }
0xf: {  	[smem:$0x3FB5] =	sst s7  }
0x10: {  	[smem:$0x3FB6] =	sst s8  }
0x11: {  	[smem:$0x3FB7] =	sst s9;
	s0 =	simm.s32 @!p0 $0x0  }
0x12: {  	s1 =	sld [smem:$0x3F9D];
	s0 =	simm.s32 @p0 $0x1  }
0x13: {  	[smem:$0x3FB8] =	sst s0;
	s0 =	simm.s32 @!p1 $0x0  }
0x14: {  	s2 =	sld [smem:$0x3F9C];
	s0 =	simm.s32 @p1 $0x1  }
0x15: {  	[smem:$0x3FB9] =	sst s0;
	s0 =	simm.s32 @!p2 $0x0  }
0x16: {  	s3 =	sld [smem:$0x3FDB];
	s0 =	simm.s32 @p2 $0x1  }
0x17: {  	s4 =	simm.s32 $0x1BF5;
	[smem:$0x3FBB] =	sst s0  }
0x18: {  	s0 =	sld [smem:$0x3F9E];
	_ =	swait.ge [sflag:s4], $0x0  }
0x19: {  	s7 =	sld [smem:$0x3F9F]  }
0x1a: {  	s8 =	sadd.s32 $0xFFFFE003, lr  }
0x1b: {  	s9 =	sadd.s32 $0xFFFFFEF7, lr;
	s5 =	simm.s32 $0xFFFFFFFF;
	p2 =	slt.u32 s8, $0xFFFFF086  }
0x1c: {  	p1 =	slt.u32 s9, $0xF7A;
	s5 =	simm.s32 @!p2 $0x0  }
0x1d: {  	s5 =	simm.s32 @p1 $0x1;
	p0 =	seq.s32 s7, s2  }
0x1e: {  	s7 =	smul.u32 @!p0 $0xF7A, s2;
	p2 =	seq.s32 @!p0 s5, $0x0  }
0x1f: {  	s9 =	smul.u32 $0xF7A, s1;
	s8 =	simm.s32 @!p0 $0x1BF5;
	p2 =	por !p2, p0  }
0x20: {  	[sflag:s8] =	ssyncset.s32 @!p0 $0xFFFFF086;
	s6 =	sadd.s32 @!p0 s3, s7;
	s7 =	simm.s32 @!p0 $0x108  }
0x21: {  	s3 =	sadd.s32 s3, s9;
	s6 =	sadd.s32 @!p0 $0x88, s6;
	s7 =	simm.s32 @p2 $0x1082  }
0x22: {  	[simem:s7], [sflag:s8] =	dma.local @!p0 [hbm:s6], $0xF7A  }
0x23: {  	s9 =	sor.u32 $0xD0000000, s2;
	s6 =	simm.s32 $0x108;
	_ =	swait.ge @!p0 [sflag:s8], $0x0  }
0x24: {  	s3 =	sadd.s32 $0x88, s3;
	s6 =	simm.s32 @!p1 $0x1082;
	[sflag:s4] =	ssyncset.s32 $0xFFFFF086  }
0x25: {  	[simem:s6], [sflag:s4] =	dma.local [hbm:s3], $0xF7A  }
0x26: {  	[smem:$0x3F9F] =	sst s1;
	(tag) =	ssettag s2;
	_ =	strace s9  }
0x27: {  	s1 =	sld [smem:$0x3FAF]  }
0x28: {  	s2 =	sld [smem:$0x3FB0]  }
0x29: {  	s4 =	sld [smem:$0x3FB2]  }
0x2a: {  	p0 =	seq.s32 s5, $0x0;
	s5 =	sld [smem:$0x3FB3]  }
0x2b: {  	s6 =	sld [smem:$0x3FB4]  }
0x2c: {  	s7 =	sld [smem:$0x3FB5]  }
0x2d: {  	s3 =	simm.s32 $0x108;
	s8 =	sld [smem:$0x3FB6]  }
0x2e: {  	s3 =	simm.s32 @!p0 $0x1082;
	s9 =	sld [smem:$0x3FB7]  }
0x2f: {  	lr =	sadd.s32 s0, s3;
	s0 =	sld [smem:$0x3FAE]  }
0x30: {  	s3 =	sld [smem:$0x3FB1]  }
0x31: {  	[smem:$0x3FBA] =	sst s10  }
0x32: {  	s10 =	sld [smem:$0x3FB8];
	_ =	sdelay $0x3  }
0x33: {  	p0 =	seq.s32 s10, $0x1;
	s10 =	sld [smem:$0x3FBA];
	_ =	sdelay $0x3  }
0x34: {  	[smem:$0x3FBA] =	sst s10  }
0x35: {  	s10 =	sld [smem:$0x3FB9];
	_ =	sdelay $0x3  }
0x36: {  	p1 =	seq.s32 s10, $0x1;
	s10 =	sld [smem:$0x3FBA];
	_ =	sdelay $0x3  }
0x37: {  	[smem:$0x3FBA] =	sst s10  }
0x38: {  	s10 =	sld [smem:$0x3FBB]  }
0x39: {  	_ = 	snop;
	(pc) =	sbr.ind lr, $3  }
0x3a: {  	_ = 	snop  }
0x3b: {  	_ = 	snop  }
0x3c: {  	p2 =	seq.s32 s10, $0x1;
	s10 =	sld [smem:$0x3FBA]  }
0x3d: {  	_ =	shalt  }
0x3e: {  	_ =	shalt  }
0x3f: {  	_ =	shalt  }
0x40: {  	_ =	shalt  }
0x41: {  	_ =	shalt  }
0x42: {  	_ =	shalt  }
0x43: {  	_ =	shalt  }
0x44: {  	_ =	shalt  }
0x45: {  	_ =	shalt  }
0x46: {  	_ =	shalt  }
0x47: {  	_ =	shalt  }
0x48: {  	_ =	shalt  }
0x49: {  	_ =	shalt  }
0x4a: {  	_ =	shalt  }
0x4b: {  	_ =	shalt  }
0x4c: {  	_ =	shalt  }
0x4d: {  	_ =	shalt  }
0x4e: {  	_ =	shalt  }
0x4f: {  	_ =	shalt  }
0x50: {  	_ =	shalt  }
0x51: {  	_ =	shalt  }
0x52: {  	_ =	shalt  }
0x53: {  	_ =	shalt  }
0x54: {  	_ =	shalt  }
0x55: {  	_ =	shalt  }
0x56: {  	_ =	shalt  }
0x57: {  	_ =	shalt  }
0x58: {  	_ =	shalt  }
0x59: {  	_ =	shalt  }
0x5a: {  	_ =	shalt  }
0x5b: {  	_ =	shalt  }
0x5c: {  	_ =	shalt  }
0x5d: {  	_ =	shalt  }
0x5e: {  	_ =	shalt  }
0x5f: {  	_ =	shalt  }
0x60: {  	_ =	shalt  }
0x61: {  	_ =	shalt  }
0x62: {  	_ =	shalt  }
0x63: {  	_ =	shalt  }
0x64: {  	_ =	shalt  }
0x65: {  	_ =	shalt  }
0x66: {  	_ =	shalt  }
0x67: {  	_ =	shalt  }
0x68: {  	_ =	shalt  }
0x69: {  	_ =	shalt  }
0x6a: {  	_ =	shalt  }
0x6b: {  	_ =	shalt  }
0x6c: {  	_ =	shalt  }
0x6d: {  	_ =	shalt  }
0x6e: {  	_ =	shalt  }
0x6f: {  	_ =	shalt  }
0x70: {  	_ =	shalt  }
0x71: {  	_ =	shalt  }
0x72: {  	_ =	shalt  }
0x73: {  	_ =	shalt  }
0x74: {  	_ =	shalt  }
0x75: {  	_ =	shalt  }
0x76: {  	_ =	shalt  }
0x77: {  	_ =	shalt  }
0x78: {  	_ =	shalt  }
0x79: {  	_ =	shalt  }
0x7a: {  	_ =	shalt  }
0x7b: {  	_ =	shalt  }
0x7c: {  	_ =	shalt  }
0x7d: {  	_ =	shalt  }
0x7e: {  	_ =	shalt  }
0x7f: {  	_ =	shalt  }
0x80: {  	_ =	shalt  }
0x81: {  	_ =	shalt  }
0x82: {  	_ =	shalt  }
0x83: {  	_ =	shalt  }
0x84: {  	_ =	shalt  }
0x85: {  	_ =	shalt  }
0x86: {  	_ =	shalt  }
0x87: {  	_ =	shalt  }
.Lfunc_end0:
.L_simem_size_0:
called_computation_lowered:
.L_overlay_start_0:
0x88: {  	s2 =	sld [smem:$0x3FD9]  }
0x89: {  	s3 =	sld [smem:$0x3FFE];
	_ =	sdelay $0x1  }
0x8a: {  	s1 =	srdreg.scid  }
0x8b: {  	s0 =	sand.u32 $0x1, s1  }
0x8c: {  	s14 =	sshll.u32 s0, $0xA;
	s2 =	sadd.s32 s3, s2  }
0x8d: {  	s2 =	sadd.s32 s2, s14  }
0x8e: {  	[smem:$0x3FC6] =	sst s2  }
0x8f: {  	_ = 	snop  }
0x90: {  	s2 =	sld [smem:$0x3FD0];
	_ =	sdelay $0x2  }
0x91: {  	s15 =	simm.s32 $0xA;
	s4 =	simm.s32 $0x10  }
0x92: {  	[smem:s4], [sflag:s15] =	dma.local [hbm:s2], $0x1  }
0x93: {  	_ =	swait.eq [sflag:s15], $0x1  }
0x94: {  	[sflag:s15] =	ssyncset.done $0x0  }
0x95: {  	[sflag:s15] =	ssyncadd.s32 $0xFFFFFFFF  }
0x96: {  	s16 =	sld [smem:$0x10];
	(tm) =	ssettm $0x1  }
0x97: {  	s17 =	sld [smem:$0x3FFB];
	_ =	sdelay $0x3  }
0x98: {  	_ =	strace s17  }
0x99: {  	s3 =	sld [smem:$0x3FFC];
	_ =	sdelay $0x3  }
0x9a: {  	_ =	strace s3  }
0x9b: {  	s3 =	sld [smem:$0x3FFD];
	_ =	sdelay $0x3  }
0x9c: {  	_ =	strace s3  }
0x9d: {  	_ =	strace $0x8FFFFFFF  }
0x9e: {  	s18 =	sld [smem:$0x3FDB];
	_ =	sdelay $0x1  }
0x9f: {  	s19 =	simm.s32 $_scs_section_size  }
0xa0: {  	s5 =	simm.s32 $_size__tile_overlayer_lowered;
	s6 =	simm.s32 $_tile_overlayer_lowered  }
0xa1: {  	s22 =	simm.s32 $0x1BFF;
	s21 =	sshll.u32 s6, $0x1;
	s3 =	sadd.s32 s19, s18  }
0xa2: {  	s7 =	simm.s32 $0x0;
	s20 =	sshll.u32 s5, $0x1;
	s5 =	sadd.s32 s21, s3  }
0xa3: {  	[timem:s7], [sflag:s22] =	dma.local [hbm:s5], s20  }
0xa4: {  	_ =	swait.ge [sflag:s22], s20  }
0xa5: {  	s4 =	ssub.s32 $0x0, s20;
	[sflag:s22] =	ssyncset.done $0x0  }
0xa6: {  	[sflag:s22] =	ssyncadd.s32 s4;
	_ =	sdelay $0x1  }
0xa7: {  	s23 =	simm.s32 $0x1B8B  }
0xa8: {  	_ =	swait.ge [sflag:s23], $0x1  }
0xa9: {  	[sflag:s23] =	ssyncset.done $0x0  }
0xaa: {  	s25 =	simm.s32 $0x1B8E;
	s24 =	sld [smem:$0x3FFE];
	[sflag:s23] =	ssyncadd.s32 $0xFFFFFFFF  }
0xab: {  	s26 =	simm.s32 $execute0_lowered;
	[smem:$0x3FD2] =	sst s25  }
0xac: {  	s5 =	sshll.u32 s26, $0x1;
	_ =	strace $0x80000046;
	[dreg:$0x1] =	wrdreg $0xFFFFFFFF  }
0xad: {  	s28 =	simm.s32 $_size_execute0_lowered;
	s3 =	sadd.s32 s3, s5;
	[dreg:$0x0] =	wrdreg $0x0  }
0xae: {  	s5 =	sshll.u32 s28, $0x1;
	[dreg:$0x2] =	wrdreg s3  }
0xaf: {  	[dreg:$0x3] =	wrdreg s5  }
0xb0: {  	[dreg:$0x4] =	wrdreg $0xC0  }
0xb1: {  	_ =	task [dreg:s7], $0x5FFFF  }
0xb2: {  	[dreg:$0x1] =	wrdreg $0xFFFFFFFF  }
0xb3: {  	[dreg:$0x0] =	wrdreg $0x60  }
0xb4: {  	[dreg:$0x2] =	wrdreg s16  }
0xb5: {  	[dreg:$0x3] =	wrdreg s24  }
0xb6: {  	[dreg:$0x4] =	wrdreg $0x0  }
0xb7: {  	[dreg:$0x5] =	wrdreg $0x9  }
0xb8: {  	_ =	task.clear_ibuf [dreg:s7], $0x6FFFF;
	_ =	strace $0x90000046  }
0xb9: {  	s29 =	simm.s32 $0x9;
	_ =	strace $0x80000048  }
0xba: {  	_ =	swait.ge [sflag:s29], $0x1  }
0xbb: {  	[sflag:s29] =	ssyncadd.s32 $0xFFFFFFFF  }
0xbc: {  	_ =	strace $0x90000048  }
0xbd: {  	_ =	sfence  }
0xbe: {  	s30 =	sld [smem:$0x0];
	_ =	sdelay $0x2  }
0xbf: {  	s31 =	sshll.u32 s1, $0xD;
	s1 =	sshrl.u32 s1, $0x2  }
0xc0: {  	s3 =	sand.u32 $0x4000, s31;
	s1 =	sadd.s32 s1, s30  }
0xc1: {  	s0 =	sor.u32 s3, s0;
	s1 =	sshll.u32 s1, $0x11  }
0xc2: {  	s0 =	sor.u32 s1, s0  }
0xc3: {  	s0 =	sadd.s32 $0x8F2B, s0  }
0xc4: {  	[sflag:s0] =	ssyncadd.remote.s32 $0x1  }
0xc5: {  	_ =	sfence.sel $0xFFFF  }
0xc6: {  	[dreg:$0x0] =	wrdreg $0xFFFFFFFF;
	(pc) =	sbr.abs _section_cstart, $3  }
0xc7: {  	[dreg:$0x1] =	wrdreg $0xFFFFFFFF  }
0xc8: {  	_ =	task.clear_ibuf [dreg:s7], $0x2FFFF;
	_ =	strace $0x9FFFFFFF  }
0xc9: {  	(tm) =	ssettm $0x7FFFFFFF  }
tec
execute0_lowered:
.L_overlay_start_1:
0x0: {  	(tag) =	ssettag $0x1  }
0x1: {  	s0 =	rddreg [dreg:$0x0]  }
0x2: {  	s1 =	rddreg [dreg:$0x1]  }
0x3: {  	s2 =	rddreg [dreg:$0x2]  }
0x4: {  	s3 =	simm.s32 $0x0;
	s9 =	stileid.u32;
	s4 =	srdreg.scid  }
0x5: {  	s28 =	simm.s32 $0x1D000;
	s29 =	simm.s32 $0x2;
	s31 =	simm.s32 $0x10000  }
0x6: {  	s30 =	simm.s32 $0x15000;
	[smem:$0x7FF] =	sst s3;
	s5 =	sshll.u32 s9, $0x9  }
0x7: {  	s12 =	sand.u32 $0x1, s4;
	s7 =	sshll.u32 s9, $0xC;
	s14 =	sshll.u32 s9, $0x10  }
0x8: {  	s9 =	sshll.u32 s9, $0xE;
	_ =	strace $0x80000047;
	s18 =	sadd.s32 s5, s1  }
0x9: {  	s6 =	ssub.s32 $0x2, s12;
	s5 =	sadd.s32 $0x10E00, s1;
	s1 =	sadd.s32 s7, s1  }
0xa: {  	s7 =	sadd.s32 s14, s2;
	s19 =	sor.u32 $0x2000, s14;
	s11 =	sor.u32 $0x4000, s14  }
0xb: {  	s20 =	sor.u32 $0x6000, s14;
	s21 =	sor.u32 $0x8000, s14;
	s15 =	sor.u32 $0xA000, s14  }
0xc: {  	s22 =	sshll.u32 s12, $0x15;
	s23 =	sor.u32 $0xC000, s14;
	[dreg:$0x4] =	wrdreg s19  }
0xd: {  	s24 =	sor.u32 $0xE000, s14;
	s8 =	sshrl.u32 s6, $0x1;
	[dreg:$0x5] =	wrdreg s11  }
0xe: {  	s10 =	sadd.s32 s19, s2;
	s11 =	sadd.s32 s11, s2;
	[dreg:$0x6] =	wrdreg s20  }
0xf: {  	s13 =	sadd.s32 s20, s2;
	[dreg:$0x7] =	wrdreg s21;
	s16 =	sadd.s32 s21, s2  }
0x10: {  	[dreg:$0x8] =	wrdreg s15;
	s17 =	sadd.s32 s15, s2;
	s0 =	sadd.s32 s22, s0  }
0x11: {  	[dreg:$0x9] =	wrdreg s23;
	s19 =	sadd.s32 s23, s2;
	s20 =	smov.u32 s14  }
0x12: {  	s23 =	smov.u32 s24;
	s22 =	sadd.s32 s24, s2;
	s25 =	sadd.s32 $0xE00, s18  }
.Ltmp0:
0x13: {  	s24 =	sadd.s32 $0x210E00, s1;
	s18 =	smov.u32 s12;
	(pc) =	sbr.rel .LBB2_1-.Ltmp0, $4  }
0x14: {  	s21 =	simm.s32 $0x11000;
	s1 =	simm.s32 $0x13000;
	s6 =	ssub.s32 s6, s8  }
0x15: {  	s0 =	sadd.s32 s9, s0;
	[dreg:$0xb] =	wrdreg s25;
	s25 =	simm.s32 $0x12000  }
0x16: {  	[dreg:$0xa] =	wrdreg s0;
	s26 =	smax.u32 s6, $0x1;
	s0 =	simm.s32 $0x80  }
0x17: {  	v0 =	vimm.f32 $0.0e+00;
	v1 =	vimm.f32 $1.000000000e+00;
	s6 =	simm.s32 $0x0;
	[dreg:$0xc] =	wrdreg s26;
	s26 =	sshll.u32 s12, $0x17  }
.LBB2_13:
0x18: {  	s6 =	rddreg [dreg:$0xd]  }
0x19: {  	s4 =	rddreg [dreg:$0xc];
	s6 =	sadd.s32 $0x1, s6  }
0x1a: {  	p0 =	sne.s32 s6, s4  }
.Ltmp1:
0x1b: {  	_ = 	snop;
	(pc) =	sbr.rel @!p0 .LBB2_14-.Ltmp1, $1  }
0x1c: {  	_ =	sdelay $0x3  }
.LBB2_1:
0x1d: {  	[dreg:$0xd] =	wrdreg s6;
	s4 =	simm.s32 $0x80;
	s6 =	simm.s32 $0x0  }
.LBB2_2:
0x1e: {  	p0 =	sne.s32 s4, $0x7F80;
	[tilespmem:s6+$0x1D000] =	vst v0;
	s8 =	smov.u32 s4;
	s4 =	sadd.s32 $0x80, s4  }
.Ltmp2:
0x1f: {  	[tilespmem:s6+$0x1D010] =	vst v0;
	(pc) =	sbr.rel @p0 .LBB2_2-.Ltmp2, $2  }
0x20: {  	_ =	sdelay $0x2  }
0x21: {  	s6 =	sshra.s32 s8, $0x2  }
.Ltmp3:
0x22: {  	(pc) =	sbr.rel .LBB2_4-.Ltmp3, $3  }
0x23: {  	_ =	sdelay $0x1  }
0x24: {  	[tilespmem:s6+$0x1D000] =	vst v0  }
0x25: {  	[tilespmem:s6+$0x1D010] =	vst v0;
	s4 =	rddreg [dreg:$0xa];
	s8 =	simm.s32 $0x0  }
.LBB2_12:
0x26: {  	s6 =	sshll.u32 s8, $0x14  }
0x27: {  	s6 =	sadd.s32 s26, s6  }
0x28: {  	s12 =	stileid.u32;
	s9 =	sor.u32 s20, s6  }
0x29: {  	[bflag:$0x0] =	sbarrier.arrive $0xFFFF;
	s12 =	sshll.u32 s12, $0x6;
	s9 =	sshrl.u32 s9, $0x3  }
0x2a: {  	s14 =	sshrl.u32 s7, $0x3;
	s12 =	sor.u32 $0x1C02, s12;
	s9 =	sadd.s32 s5, s9  }
0x2b: {  	[hbm:s9], [sflag:s12] =	dma.local [spmem:s14], $0x400  }
0x2c: {  	_ =	swait.ge [sflag:s29], $0x400  }
0x2d: {  	s14 =	rddreg [dreg:$0x4]  }
0x2e: {  	s9 =	sor.u32 s14, s6  }
0x2f: {  	[sflag:s29] =	ssyncset.done $0x0;
	s9 =	sshrl.u32 s9, $0x3  }
0x30: {  	s15 =	sshrl.u32 s10, $0x3;
	[sflag:s29] =	ssyncadd.s32 $0xFFFFFC00;
	s9 =	sadd.s32 s5, s9  }
0x31: {  	[hbm:s9], [sflag:s12] =	dma.local [spmem:s15], $0x400  }
0x32: {  	_ =	swait.ge [sflag:s29], $0x400  }
0x33: {  	s14 =	rddreg [dreg:$0x5]  }
0x34: {  	s9 =	sor.u32 s14, s6  }
0x35: {  	[sflag:s29] =	ssyncset.done $0x0;
	s9 =	sshrl.u32 s9, $0x3  }
0x36: {  	s15 =	sshrl.u32 s11, $0x3;
	[sflag:s29] =	ssyncadd.s32 $0xFFFFFC00;
	s9 =	sadd.s32 s5, s9  }
0x37: {  	[hbm:s9], [sflag:s12] =	dma.local [spmem:s15], $0x400  }
0x38: {  	_ =	swait.ge [sflag:s29], $0x400  }
0x39: {  	s14 =	rddreg [dreg:$0x6]  }
0x3a: {  	s9 =	sor.u32 s14, s6  }
0x3b: {  	[sflag:s29] =	ssyncset.done $0x0;
	s9 =	sshrl.u32 s9, $0x3  }
0x3c: {  	s15 =	sshrl.u32 s13, $0x3;
	[sflag:s29] =	ssyncadd.s32 $0xFFFFFC00;
	s9 =	sadd.s32 s5, s9  }
0x3d: {  	[hbm:s9], [sflag:s12] =	dma.local [spmem:s15], $0x400  }
0x3e: {  	_ =	swait.ge [sflag:s29], $0x400  }
0x3f: {  	s14 =	rddreg [dreg:$0x7]  }
0x40: {  	s9 =	sor.u32 s14, s6  }
0x41: {  	[sflag:s29] =	ssyncset.done $0x0;
	s9 =	sshrl.u32 s9, $0x3  }
0x42: {  	s15 =	sshrl.u32 s16, $0x3;
	[sflag:s29] =	ssyncadd.s32 $0xFFFFFC00;
	s9 =	sadd.s32 s5, s9  }
0x43: {  	[hbm:s9], [sflag:s12] =	dma.local [spmem:s15], $0x400  }
0x44: {  	_ =	swait.ge [sflag:s29], $0x400  }
0x45: {  	s14 =	rddreg [dreg:$0x8]  }
0x46: {  	s9 =	sor.u32 s14, s6  }
0x47: {  	[sflag:s29] =	ssyncset.done $0x0;
	s9 =	sshrl.u32 s9, $0x3  }
0x48: {  	s15 =	sshrl.u32 s17, $0x3;
	[sflag:s29] =	ssyncadd.s32 $0xFFFFFC00;
	s9 =	sadd.s32 s5, s9  }
0x49: {  	[hbm:s9], [sflag:s12] =	dma.local [spmem:s15], $0x400  }
0x4a: {  	_ =	swait.ge [sflag:s29], $0x400  }
0x4b: {  	s14 =	rddreg [dreg:$0x9]  }
0x4c: {  	s9 =	sor.u32 s14, s6  }
0x4d: {  	[sflag:s29] =	ssyncset.done $0x0;
	s9 =	sshrl.u32 s9, $0x3  }
0x4e: {  	s15 =	sshrl.u32 s19, $0x3;
	[sflag:s29] =	ssyncadd.s32 $0xFFFFFC00;
	s9 =	sadd.s32 s5, s9  }
0x4f: {  	[hbm:s9], [sflag:s12] =	dma.local [spmem:s15], $0x400  }
0x50: {  	s6 =	sor.u32 s23, s6;
	_ =	swait.ge [sflag:s29], $0x400  }
0x51: {  	s6 =	sshrl.u32 s6, $0x3;
	[sflag:s29] =	ssyncset.done $0x0  }
0x52: {  	s6 =	sadd.s32 s5, s6;
	s15 =	sshrl.u32 s22, $0x3;
	[sflag:s29] =	ssyncadd.s32 $0xFFFFFC00  }
0x53: {  	[hbm:s6], [sflag:s12] =	dma.local [spmem:s15], $0x400  }
0x54: {  	s9 =	simm.s32 @!p0 $0x0;
	s6 =	sshll.u32 @!p0 s8, $0x10;
	_ =	swait.ge [sflag:s29], $0x400  }
0x55: {  	s12 =	simm.s32 @!p0 $0x15000;
	s8 =	sadd.s32 $0x1, s8;
	[sflag:s29] =	ssyncset.done $0x0  }
0x56: {  	s6 =	sadd.s32 @!p0 s6, s24;
	p1 =	sne.s32 s8, $0x8;
	[sflag:s29] =	ssyncadd.s32 $0xFFFFFC00  }
0x57: {  	[hbm4b:s6+s9] =	stream.linear.scatter @!p0 [tilespmem:s12], [sflag:$0x1], $0x8000, $0x38;
	[tilespmem:$0x1F000] =	vst v63  }
.Ltmp4:
0x58: {  	_ = 	snop;
	(pc) =	sbr.rel @!p1 .LBB2_13-.Ltmp4, $4  }
0x59: {  	s6 =	simm.s32 @!p0 $0x1  }
0x5a: {  	_ =	swait.ge @!p0 [sflag:s6], $0x8000  }
0x5b: {  	[sflag:s6] =	ssyncset.done @!p0 $0x0  }
0x5c: {  	s4 =	sadd.s32 $0x40000, s4;
	[sflag:s6] =	ssyncadd.s32 @!p0 $0xFFFF8000  }
.LBB2_4:
0x5d: {  	[spmem:s7] =	stream.linear.scatter [tilespmem:s28], [sflag:$0x2], $0x2000, $0x38;
	[tilespmem:$0x1F000] =	vst v63  }
0x5e: {  	_ =	swait.ge [sflag:s29], $0x2000  }
0x5f: {  	[sflag:s29] =	ssyncset.done $0x0  }
0x60: {  	[sflag:s29] =	ssyncadd.s32 $0xFFFFE000  }
0x61: {  	[spmem:s10] =	stream.linear.scatter [tilespmem:s28], [sflag:$0x2], $0x2000, $0x38;
	[tilespmem:$0x1F000] =	vst v63  }
0x62: {  	_ =	swait.ge [sflag:s29], $0x2000  }
0x63: {  	[sflag:s29] =	ssyncset.done $0x0  }
0x64: {  	[sflag:s29] =	ssyncadd.s32 $0xFFFFE000  }
0x65: {  	[spmem:s11] =	stream.linear.scatter [tilespmem:s28], [sflag:$0x2], $0x2000, $0x38;
	[tilespmem:$0x1F000] =	vst v63  }
0x66: {  	_ =	swait.ge [sflag:s29], $0x2000  }
0x67: {  	[sflag:s29] =	ssyncset.done $0x0  }
0x68: {  	[sflag:s29] =	ssyncadd.s32 $0xFFFFE000  }
0x69: {  	[spmem:s13] =	stream.linear.scatter [tilespmem:s28], [sflag:$0x2], $0x2000, $0x38;
	[tilespmem:$0x1F000] =	vst v63  }
0x6a: {  	_ =	swait.ge [sflag:s29], $0x2000  }
0x6b: {  	[sflag:s29] =	ssyncset.done $0x0  }
0x6c: {  	[sflag:s29] =	ssyncadd.s32 $0xFFFFE000  }
0x6d: {  	[spmem:s16] =	stream.linear.scatter [tilespmem:s28], [sflag:$0x2], $0x2000, $0x38;
	[tilespmem:$0x1F000] =	vst v63  }
0x6e: {  	_ =	swait.ge [sflag:s29], $0x2000  }
0x6f: {  	[sflag:s29] =	ssyncset.done $0x0  }
0x70: {  	[sflag:s29] =	ssyncadd.s32 $0xFFFFE000  }
0x71: {  	[spmem:s17] =	stream.linear.scatter [tilespmem:s28], [sflag:$0x2], $0x2000, $0x38;
	[tilespmem:$0x1F000] =	vst v63  }
0x72: {  	_ =	swait.ge [sflag:s29], $0x2000  }
0x73: {  	[sflag:s29] =	ssyncset.done $0x0  }
0x74: {  	[sflag:s29] =	ssyncadd.s32 $0xFFFFE000  }
0x75: {  	[spmem:s19] =	stream.linear.scatter [tilespmem:s28], [sflag:$0x2], $0x2000, $0x38;
	[tilespmem:$0x1F000] =	vst v63  }
0x76: {  	s6 =	sand.u32 $0x1, s8;
	_ =	swait.ge [sflag:s29], $0x2000  }
0x77: {  	p0 =	sne.s32 s6, s18;
	[sflag:s29] =	ssyncset.done $0x0  }
.Ltmp5:
0x78: {  	[sflag:s29] =	ssyncadd.s32 $0xFFFFE000;
	(pc) =	sbr.rel @p0 .LBB2_8-.Ltmp5, $4  }
0x79: {  	[spmem:s22] =	stream.linear.scatter [tilespmem:s28], [sflag:$0x2], $0x2000, $0x38;
	[tilespmem:$0x1F000] =	vst v63  }
0x7a: {  	_ =	swait.ge [sflag:s29], $0x2000  }
0x7b: {  	[sflag:s29] =	ssyncset.done $0x0  }
0x7c: {  	[sflag:s29] =	ssyncadd.s32 $0xFFFFE000  }
0x7d: {  	s9 =	simm.s32 $0x0  }
0x7e: {  	s6 =	sshra.s32 s9, $0x2;
	s9 =	sadd.s32 $0x200, s9  }
.LBB2_6:
0x7f: {  	p1 =	sne.s32 s9, $0x1FE00;
	[tilespmem:s6+$0x15070] =	vst v0  }
0x80: {  	[tilespmem:s6+$0x15000] =	vst v0  }
0x81: {  	[tilespmem:s6+$0x15010] =	vst v0  }
.Ltmp6:
0x82: {  	[tilespmem:s6+$0x15020] =	vst v0;
	(pc) =	sbr.rel @p1 .LBB2_6-.Ltmp6, $4  }
0x83: {  	[tilespmem:s6+$0x15030] =	vst v0  }
0x84: {  	[tilespmem:s6+$0x15040] =	vst v0  }
0x85: {  	[tilespmem:s6+$0x15050] =	vst v0  }
0x86: {  	[tilespmem:s6+$0x15060] =	vst v0;
	s6 =	sshra.s32 s9, $0x2;
	s9 =	sadd.s32 $0x200, s9  }
0x87: {  	[tilespmem:s6+$0x15070] =	vst v0  }
0x88: {  	[tilespmem:s6+$0x15000] =	vst v0  }
0x89: {  	[tilespmem:s6+$0x15010] =	vst v0  }
0x8a: {  	[tilespmem:s6+$0x15020] =	vst v0  }
0x8b: {  	[tilespmem:s6+$0x15030] =	vst v0  }
0x8c: {  	[tilespmem:s6+$0x15040] =	vst v0  }
0x8d: {  	[tilespmem:s6+$0x15050] =	vst v0  }
0x8e: {  	[tilespmem:s6+$0x15060] =	vst v0  }
.LBB2_8:
0x8f: {  	s6 =	sshll.u32 s8, $0xD;
	s9 =	rddreg [dreg:$0xb]  }
0x90: {  	s14 =	simm.s32 $0x0;
	s12 =	simm.s32 $0x14000;
	s6 =	sadd.s32 s6, s9  }
0x91: {  	[tilespmem:s12], [sflag:$0x2] =	stream.linear.gather [hbm4b:s6+s14], $0x1000, $0x38;
	[tilespmem:$0x1F000] =	vst v63  }
0x92: {  	_ =	swait.ge [sflag:s29], $0x1000  }
0x93: {  	[sflag:s29] =	ssyncset.done $0x0  }
0x94: {  	[sflag:s29] =	ssyncadd.s32 $0xFFFFF000  }
0x95: {  	s15 =	sadd.s32 $0x0, s4;
	[bflag:$0x0] =	sbarrier.arrive $0xFFFF  }
0x96: {  	[tilespmem:s31], [sflag:$0x2] =	stream.linear.gather [hbm4b:s15+s3], $0x4000, $0x38;
	[tilespmem:$0x1F000] =	vst v63  }
0x97: {  	_ =	swait.ge [sflag:s29], $0x4000  }
0x98: {  	[sflag:s29] =	ssyncset.done $0x0  }
0x99: {  	s9 =	simm.s32 $0x14000;
	[sflag:s29] =	ssyncadd.s32 $0xFFFFC000  }
0x9a: {  	[spmem:s2] =	stream.indirect.scatter.add.f32 [tilespmem:s31], [sflag:$0x2], $0x20, s9, s0, $0xb8;
	[tilespmem:$0x1F000] =	vst v63  }
0x9b: {  	_ =	swait.ge [sflag:s29], $0x1000  }
0x9c: {  	[sflag:s29] =	ssyncset.done $0x0  }
0x9d: {  	s12 =	simm.s32 $0x14080;
	[sflag:s29] =	ssyncadd.s32 $0xFFFFF000  }
0x9e: {  	[spmem:s2] =	stream.indirect.scatter.add.f32 [tilespmem:s21], [sflag:$0x2], $0x20, s12, s0, $0xb8;
	[tilespmem:$0x1F000] =	vst v63  }
0x9f: {  	_ =	swait.ge [sflag:s29], $0x1000  }
0xa0: {  	[sflag:s29] =	ssyncset.done $0x0  }
0xa1: {  	s14 =	simm.s32 $0x14100;
	[sflag:s29] =	ssyncadd.s32 $0xFFFFF000  }
0xa2: {  	[spmem:s2] =	stream.indirect.scatter.add.f32 [tilespmem:s25], [sflag:$0x2], $0x20, s14, s0, $0xb8;
	[tilespmem:$0x1F000] =	vst v63  }
0xa3: {  	_ =	swait.ge [sflag:s29], $0x1000  }
0xa4: {  	[sflag:s29] =	ssyncset.done $0x0  }
0xa5: {  	s15 =	simm.s32 $0x14180;
	[sflag:s29] =	ssyncadd.s32 $0xFFFFF000  }
0xa6: {  	[spmem:s2] =	stream.indirect.scatter.add.f32 [tilespmem:s1], [sflag:$0x2], $0x20, s15, s0, $0xb8;
	[tilespmem:$0x1F000] =	vst v63  }
0xa7: {  	_ =	swait.ge [sflag:s29], $0x1000  }
0xa8: {  	s6 =	simm.s32 $0x800;
	s9 =	simm.s32 $0x1000;
	[sflag:s29] =	ssyncset.done $0x0  }
.LBB2_9:
0xa9: {  	s12 =	sadd.s32 s6, s4  }
0xaa: {  	[sflag:s29] =	ssyncadd.s32 $0xFFFFF000;
	s14 =	smov.u32 s9;
	s15 =	sadd.s32 $0x800, s9  }
0xab: {  	[tilespmem:s31], [sflag:$0x2] =	stream.linear.gather [hbm4b:s12+s3], $0x4000, $0x38;
	[tilespmem:$0x1F000] =	vst v63  }
0xac: {  	p1 =	sne.s32 s9, $0x3800;
	_ =	swait.ge [sflag:s29], $0x4000  }
0xad: {  	s9 =	sshra.s32 s6, $0x2;
	s6 =	smov.u32 s14;
	[sflag:s29] =	ssyncset.done $0x0  }
0xae: {  	s12 =	sadd.s32 $0x14000, s9;
	[sflag:s29] =	ssyncadd.s32 $0xFFFFC000  }
0xaf: {  	[spmem:s2] =	stream.indirect.scatter.add.f32 [tilespmem:s31], [sflag:$0x2], $0x20, s12, s0, $0xb8;
	[tilespmem:$0x1F000] =	vst v63  }
0xb0: {  	_ =	swait.ge [sflag:s29], $0x1000  }
0xb1: {  	[sflag:s29] =	ssyncset.done $0x0  }
0xb2: {  	s12 =	sadd.s32 $0x14080, s9;
	[sflag:s29] =	ssyncadd.s32 $0xFFFFF000  }
0xb3: {  	[spmem:s2] =	stream.indirect.scatter.add.f32 [tilespmem:s21], [sflag:$0x2], $0x20, s12, s0, $0xb8;
	[tilespmem:$0x1F000] =	vst v63  }
0xb4: {  	_ =	swait.ge [sflag:s29], $0x1000  }
0xb5: {  	[sflag:s29] =	ssyncset.done $0x0  }
0xb6: {  	s12 =	sadd.s32 $0x14100, s9;
	[sflag:s29] =	ssyncadd.s32 $0xFFFFF000  }
0xb7: {  	[spmem:s2] =	stream.indirect.scatter.add.f32 [tilespmem:s25], [sflag:$0x2], $0x20, s12, s0, $0xb8;
	[tilespmem:$0x1F000] =	vst v63  }
0xb8: {  	_ =	swait.ge [sflag:s29], $0x1000  }
.Ltmp7:
0xb9: {  	[sflag:s29] =	ssyncset.done $0x0;
	(pc) =	sbr.rel @p1 .LBB2_9-.Ltmp7, $4  }
0xba: {  	s9 =	sadd.s32 $0x14180, s9;
	[sflag:s29] =	ssyncadd.s32 $0xFFFFF000  }
0xbb: {  	[spmem:s2] =	stream.indirect.scatter.add.f32 [tilespmem:s1], [sflag:$0x2], $0x20, s9, s0, $0xb8;
	[tilespmem:$0x1F000] =	vst v63  }
0xbc: {  	_ =	swait.ge [sflag:s29], $0x1000  }
0xbd: {  	s9 =	smov.u32 s15;
	[sflag:s29] =	ssyncset.done $0x0  }
0xbe: {  	s9 =	sadd.s32 s6, s4;
	[sflag:s29] =	ssyncadd.s32 $0xFFFFF000  }
0xbf: {  	[tilespmem:s31], [sflag:$0x2] =	stream.linear.gather [hbm4b:s9+s3], $0x4000, $0x38;
	[tilespmem:$0x1F000] =	vst v63  }
0xc0: {  	_ =	swait.ge [sflag:s29], $0x4000  }
0xc1: {  	s6 =	sshra.s32 s6, $0x2;
	[sflag:s29] =	ssyncset.done $0x0  }
0xc2: {  	s12 =	sadd.s32 $0x14000, s6;
	[sflag:s29] =	ssyncadd.s32 $0xFFFFC000  }
0xc3: {  	[spmem:s2] =	stream.indirect.scatter.add.f32 [tilespmem:s31], [sflag:$0x2], $0x20, s12, s0, $0xb8;
	[tilespmem:$0x1F000] =	vst v63  }
0xc4: {  	_ =	swait.ge [sflag:s29], $0x1000  }
0xc5: {  	[sflag:s29] =	ssyncset.done $0x0  }
0xc6: {  	s14 =	sadd.s32 $0x14080, s6;
	[sflag:s29] =	ssyncadd.s32 $0xFFFFF000  }
0xc7: {  	[spmem:s2] =	stream.indirect.scatter.add.f32 [tilespmem:s21], [sflag:$0x2], $0x20, s14, s0, $0xb8;
	[tilespmem:$0x1F000] =	vst v63  }
0xc8: {  	_ =	swait.ge [sflag:s29], $0x1000  }
0xc9: {  	[sflag:s29] =	ssyncset.done $0x0  }
0xca: {  	s15 =	sadd.s32 $0x14100, s6;
	[sflag:s29] =	ssyncadd.s32 $0xFFFFF000  }
0xcb: {  	[spmem:s2] =	stream.indirect.scatter.add.f32 [tilespmem:s25], [sflag:$0x2], $0x20, s15, s0, $0xb8;
	[tilespmem:$0x1F000] =	vst v63  }
0xcc: {  	_ =	swait.ge [sflag:s29], $0x1000  }
0xcd: {  	[sflag:s29] =	ssyncset.done $0x0  }
.Ltmp8:
0xce: {  	s6 =	sadd.s32 $0x14180, s6;
	[sflag:s29] =	ssyncadd.s32 $0xFFFFF000;
	(pc) =	sbr.rel @p0 .LBB2_12-.Ltmp8, $4  }
0xcf: {  	[spmem:s2] =	stream.indirect.scatter.add.f32 [tilespmem:s1], [sflag:$0x2], $0x20, s6, s0, $0xb8;
	[tilespmem:$0x1F000] =	vst v63  }
0xd0: {  	_ =	swait.ge [sflag:s29], $0x1000  }
0xd1: {  	[sflag:s29] =	ssyncset.done $0x0  }
0xd2: {  	s6 =	simm.s32 $0x0;
	[sflag:s29] =	ssyncadd.s32 $0xFFFFF000  }
.LBB2_11:
0xd3: {  	s9 =	sshra.s32 s6, $0x2  }
0xd4: {  	v2 =	vld [tilespmem:s9+$0x14000];
	_ =	sdelay $0x7  }
0xd5: {  	[tilespmem:v2+s30+$0x0] =	vst.idx.add.f32.msk $0xffff, v1  }
0xd6: {  	v2 =	vld [tilespmem:s9+$0x14010];
	_ =	sdelay $0x7  }
0xd7: {  	[tilespmem:v2+s30+$0x0] =	vst.idx.add.f32.msk $0xffff, v1  }
0xd8: {  	v2 =	vld [tilespmem:s9+$0x14020];
	_ =	sdelay $0x7  }
0xd9: {  	[tilespmem:v2+s30+$0x0] =	vst.idx.add.f32.msk $0xffff, v1  }
0xda: {  	v2 =	vld [tilespmem:s9+$0x14030];
	_ =	sdelay $0x7  }
0xdb: {  	[tilespmem:v2+s30+$0x0] =	vst.idx.add.f32.msk $0xffff, v1  }
0xdc: {  	v2 =	vld [tilespmem:s9+$0x14040];
	_ =	sdelay $0x7  }
0xdd: {  	[tilespmem:v2+s30+$0x0] =	vst.idx.add.f32.msk $0xffff, v1  }
0xde: {  	v2 =	vld [tilespmem:s9+$0x14050];
	_ =	sdelay $0x7  }
0xdf: {  	[tilespmem:v2+s30+$0x0] =	vst.idx.add.f32.msk $0xffff, v1  }
0xe0: {  	v2 =	vld [tilespmem:s9+$0x14060];
	_ =	sdelay $0x7  }
0xe1: {  	[tilespmem:v2+s30+$0x0] =	vst.idx.add.f32.msk $0xffff, v1  }
0xe2: {  	v2 =	vld [tilespmem:s9+$0x14070];
	_ =	sdelay $0x2  }
0xe3: {  	p1 =	sne.s32 s6, $0x3E00  }
.Ltmp9:
0xe4: {  	_ = 	snop;
	(pc) =	sbr.rel @p1 .LBB2_11-.Ltmp9, $2  }
0xe5: {  	_ =	sdelay $0x2  }
0xe6: {  	s6 =	sadd.s32 $0x200, s6;
	[tilespmem:v2+s30+$0x0] =	vst.idx.add.f32.msk $0xffff, v1  }
.Ltmp10:
0xe7: {  	_ = 	snop;
	(pc) =	sbr.rel .LBB2_12-.Ltmp10, $1  }
0xe8: {  	_ =	sdelay $0x3  }
.LBB2_14:
0xe9: {  	_ =	sfence.sel $0x180000  }
0xea: {  	[bflag:$0x0] =	sbarrier.arrive $0xFFFF  }
0xeb: {  	_ =	strace $0x90000047  }
0xec: {  	s0 =	stileid.u32;
	[bflag:$0x2] =	sbarrier.arrive $0xFFFF  }
0xed: {  	p0 =	sne.s32 s0, $0x0;
	s0 =	rddreg [dreg:$0x3]  }
0xee: {  	s0 =	sadd.s32 @!p0 $0x100000, s0  }
0xef: {  	[sflag:s0] =	ssyncadd.tile.s32 @!p0 $0x1;
	_ =	shalt  }
.Lfunc_end2:
_tile_overlayer_lowered:
.L_overlay_start_2:
0xf0: {  	(tag) =	ssettag $0x2  }
0xf1: {  	s0 =	rddreg [dreg:$0x0];
	s2 =	stileid.u32  }
0xf2: {  	s1 =	rddreg [dreg:$0x1];
	p0 =	sne.s32 s2, $0x0  }
0xf3: {  	s3 =	rddreg [dreg:$0x2];
	[bflag:$0x3] =	sbarrier.arrive $0xFFFF;
	s2 =	simm.s32 @!p0 $0x1C01  }
0xf4: {  	[timem:s3], [sflag:s2] =	dma.local @!p0 [hbm:s0], s1  }
0xf5: {  	s0 =	simm.s32 @!p0 $0x1  }
0xf6: {  	_ =	swait.ge @!p0 [sflag:s0], s1  }
0xf7: {  	s1 =	ssub.s32 @!p0 $0x0, s1;
	[sflag:s0] =	ssyncset.done @!p0 $0x0  }
0xf8: {  	[sflag:s0] =	ssyncadd.s32 @!p0 s1  }
0xf9: {  	[bflag:$0x3] =	sbarrier.arrive $0xFFFF  }
0xfa: {  	_ =	shalt  }

</sc_bundles>
